<compile_context>
chip_gen: v7x
topology: tpu7x:2x2x1
jax: 0.10.2.dev20260603
libtpu: 0.0.44.dev20260713+nightly
codegen_flags: <defaults>
</compile_context>

<pallas_src>
import jax
import jax.numpy as jnp
from jax import lax
from jax.experimental import pallas as pl
from jax.experimental.pallas import tpu as pltpu
from jax.experimental.pallas import tpu_sc as plsc

T = 4096
DIM = 1024
DFF = 2048
E = 8
K = 2

TILE_A = 1024
TILE_F = 256
NTILES = (T * K) // TILE_F + E
NPAD = NTILES * TILE_F
DFFB = 2048
NDFF = DFF // DFFB
TE_LEN = 80

RCH = 1024
NRCH = (T * K) // RCH

NC = 2
NS = 16
NW = NC * NS
TPW = T // NW
CH = 64
NCH = TPW // CH

_MESH = plsc.VectorSubcoreMesh(core_axis_name="c", subcore_axis_name="s",
                               num_cores=NC, num_subcores=NS)


def _route_rank_body(x_ref, gw_ref, tw_ref, pe_ref, po_ref, te_ref, act_ref,
                     ohi_s):
    g = pl.program_id(0)
    xb = x_ref[...]
    logits = lax.dot_general(xb, gw_ref[...], (((1,), (1,)), ((), ())),
                             preferred_element_type=jnp.float32)
    eids = lax.broadcasted_iota(jnp.int32, (1, E), 1)
    v1 = jnp.max(logits, axis=1, keepdims=True)
    i1 = jnp.argmax(logits, axis=1, keepdims=True).astype(jnp.int32)
    masked = jnp.where(eids == i1, -jnp.inf, logits)
    v2 = jnp.max(masked, axis=1, keepdims=True)
    i2 = jnp.argmax(masked, axis=1, keepdims=True).astype(jnp.int32)
    e2 = jnp.exp(v2 - v1)
    denom = 1.0 + e2
    tw_ref[...] = jnp.concatenate([1.0 / denom, e2 / denom], axis=1)

    oh0 = jnp.where(i1 == eids, 1.0, 0.0)
    oh1 = jnp.where(i2 == eids, 1.0, 0.0)
    ohg = jnp.concatenate(
        [oh0.reshape(TILE_A, 1, E), oh1.reshape(TILE_A, 1, E)], axis=1
    ).reshape(2 * TILE_A, E)
    ohi_s[pl.ds(g * 2 * TILE_A, 2 * TILE_A), :] = ohg

    @pl.when(g == (T // TILE_A) - 1)
    def _():
        ohi = ohi_s[...]
        tot = jnp.sum(ohi, axis=0, keepdims=True)
        padded = jnp.floor((tot + (TILE_F - 1)) * (1.0 / TILE_F)) * TILE_F
        r8 = lax.broadcasted_iota(jnp.int32, (E, E), 0)
        c8 = lax.broadcasted_iota(jnp.int32, (E, E), 1)
        u8 = jnp.where(r8 < c8, 1.0, 0.0)
        pad_base = lax.dot_general(padded, u8, (((1,), (0,)), ((), ())),
                                   preferred_element_type=jnp.float32)
        total_rows = jnp.sum(padded)

        rr = lax.broadcasted_iota(jnp.int32, (RCH, RCH), 0)
        cc = lax.broadcasted_iota(jnp.int32, (RCH, RCH), 1)
        lt = jnp.where(cc < rr, 1.0, 0.0)

        carry = jnp.zeros((1, E), jnp.float32)
        for c in range(NRCH):
            chunk = ohi[c * RCH:(c + 1) * RCH]
            within = lax.dot_general(lt, chunk, (((1,), (0,)), ((), ())),
                                     preferred_element_type=jnp.float32)
            base_vec = pad_base + carry
            basep = jnp.sum(chunk * base_vec, axis=1, keepdims=True)
            withinp = jnp.sum(within * chunk, axis=1, keepdims=True)
            pos = (basep + withinp).astype(jnp.int32).reshape(RCH // K, K)
            pe_ref[pl.ds(c * (RCH // K), RCH // K), :] = pos[:, 0:1]
            po_ref[pl.ds(c * (RCH // K), RCH // K), :] = pos[:, 1:2]
            carry = carry + jnp.sum(chunk, axis=0, keepdims=True)

        gi = lax.broadcasted_iota(jnp.int32, (TE_LEN, E), 0)
        ge = jnp.where((gi * TILE_F).astype(jnp.float32) >= pad_base,
                       1.0, 0.0)
        te_ref[...] = (jnp.sum(ge, axis=1, keepdims=True)
                       - 1.0).astype(jnp.int32)
        act_ref[...] = jnp.where(
            (gi[:, 0:1] * TILE_F).astype(jnp.float32) < total_rows,
            1, 0).astype(jnp.int32)


def _sc_dispatch_body(x_hbm, pe_hbm, po_hbm, xs_hbm, pe2_v, po2_v, xbuf_v):
    wid = lax.axis_index("s") * NC + lax.axis_index("c")
    base = wid * TPW
    pltpu.sync_copy(pe_hbm.at[pl.ds(base, TPW)], pe2_v)
    pltpu.sync_copy(po_hbm.at[pl.ds(base, TPW)], po2_v)
    for ch in range(NCH):
        pltpu.sync_copy(x_hbm.at[pl.ds(base + ch * CH, CH)], xbuf_v)
        pltpu.sync_copy(xbuf_v, xs_hbm.at[pe2_v.at[pl.ds(ch * CH, CH)]])
        pltpu.sync_copy(xbuf_v, xs_hbm.at[po2_v.at[pl.ds(ch * CH, CH)]])


def _ffn_body(te_ref, act_ref, x_ref, w1_ref, w3_ref, w2_ref, out_ref):
    g_idx = pl.program_id(0)
    f_idx = pl.program_id(1)

    @pl.when(act_ref[g_idx] == 1)
    def _():
        @pl.when(f_idx == 0)
        def _():
            out_ref[...] = jnp.zeros_like(out_ref)

        xb = x_ref[...]
        h1 = lax.dot_general(xb, w1_ref[0], (((1,), (1,)), ((), ())),
                             preferred_element_type=jnp.float32)
        h3 = lax.dot_general(xb, w3_ref[0], (((1,), (1,)), ((), ())),
                             preferred_element_type=jnp.float32)
        hg = h1 * lax.logistic(h1) * h3
        out_ref[...] += lax.dot_general(hg, w2_ref[0],
                                        (((1,), (0,)), ((), ())),
                                        preferred_element_type=jnp.float32)


def _sc_unsort_body(os_hbm, pe_hbm, po_hbm, outa_hbm, outb_hbm,
                    idx2_v, gbuf_v):
    wid = lax.axis_index("s") * NC + lax.axis_index("c")
    base = wid * TPW
    for p_hbm, o_hbm in ((pe_hbm, outa_hbm), (po_hbm, outb_hbm)):
        pltpu.sync_copy(p_hbm.at[pl.ds(base, TPW)], idx2_v)
        for ch in range(NCH):
            t0 = base + ch * CH
            pltpu.sync_copy(os_hbm.at[idx2_v.at[pl.ds(ch * CH, CH)]], gbuf_v)
            pltpu.sync_copy(gbuf_v, o_hbm.at[pl.ds(t0, CH)])


def _combine_body(nr_ref, a_ref, b_ref, w_ref, out_ref):
    out_ref[...] = nr_ref[...] + w_ref[...] * (a_ref[...] + b_ref[...])


_sc_dispatch = pl.kernel(
    _sc_dispatch_body,
    out_type=jax.ShapeDtypeStruct((NPAD, DIM), jnp.float32),
    mesh=_MESH,
    scratch_types=[pltpu.VMEM((TPW,), jnp.int32),
                   pltpu.VMEM((TPW,), jnp.int32),
                   pltpu.VMEM((CH, DIM), jnp.float32)])

_sc_unsort = pl.kernel(
    _sc_unsort_body,
    out_type=[jax.ShapeDtypeStruct((T, DIM), jnp.float32),
              jax.ShapeDtypeStruct((T, DIM), jnp.float32)],
    mesh=_MESH,
    scratch_types=[pltpu.VMEM((TPW,), jnp.int32),
                   pltpu.VMEM((CH, DIM), jnp.float32)])


@jax.jit
def kernel(x, next_r, gate_w, w1, w2, w3):
    tw, pe2, po2, te2, act2 = pl.pallas_call(
        _route_rank_body,
        grid=(T // TILE_A,),
        in_specs=[
            pl.BlockSpec((TILE_A, DIM), lambda g: (g, 0)),
            pl.BlockSpec((E, DIM), lambda g: (0, 0)),
        ],
        out_specs=[
            pl.BlockSpec((TILE_A, K), lambda g: (g, 0)),
            pl.BlockSpec((T, 1), lambda g: (0, 0)),
            pl.BlockSpec((T, 1), lambda g: (0, 0)),
            pl.BlockSpec((TE_LEN, 1), lambda g: (0, 0)),
            pl.BlockSpec((TE_LEN, 1), lambda g: (0, 0)),
        ],
        out_shape=[
            jax.ShapeDtypeStruct((T, K), jnp.float32),
            jax.ShapeDtypeStruct((T, 1), jnp.int32),
            jax.ShapeDtypeStruct((T, 1), jnp.int32),
            jax.ShapeDtypeStruct((TE_LEN, 1), jnp.int32),
            jax.ShapeDtypeStruct((TE_LEN, 1), jnp.int32),
        ],
        scratch_shapes=[
            pltpu.VMEM((2 * T, E), jnp.float32),
        ],
    )(x, gate_w)

    w_used = tw[: T // K].reshape(T, 1)

    pe = pe2.reshape(T)
    po = po2.reshape(T)
    te = te2.reshape(TE_LEN)
    act = act2.reshape(TE_LEN)

    xs = _sc_dispatch(x, pe, po)

    outs = pl.pallas_call(
        _ffn_body,
        grid_spec=pltpu.PrefetchScalarGridSpec(
            num_scalar_prefetch=2,
            grid=(NTILES, NDFF),
            in_specs=[
                pl.BlockSpec((TILE_F, DIM),
                             lambda g, f, te_r, a_r: (g * a_r[g], 0)),
                pl.BlockSpec((1, DFFB, DIM),
                             lambda g, f, te_r, a_r: (te_r[g], f, 0)),
                pl.BlockSpec((1, DFFB, DIM),
                             lambda g, f, te_r, a_r: (te_r[g], f, 0)),
                pl.BlockSpec((1, DFFB, DIM),
                             lambda g, f, te_r, a_r: (te_r[g], f, 0)),
            ],
            out_specs=pl.BlockSpec((TILE_F, DIM),
                                   lambda g, f, te_r, a_r: (g, 0)),
        ),
        out_shape=jax.ShapeDtypeStruct((NPAD, DIM), jnp.float32),
        compiler_params=pltpu.CompilerParams(
            vmem_limit_bytes=63 * 1024 * 1024),
    )(te, act, xs, w1, w3, w2)

    outa, outb = _sc_unsort(outs, pe, po)

    out = pl.pallas_call(
        _combine_body,
        grid=(4,),
        in_specs=[
            pl.BlockSpec((T // 4, DIM), lambda g: (g, 0)),
            pl.BlockSpec((T // 4, DIM), lambda g: (g, 0)),
            pl.BlockSpec((T // 4, DIM), lambda g: (g, 0)),
            pl.BlockSpec((T // 4, 1), lambda g: (g, 0)),
        ],
        out_specs=pl.BlockSpec((T // 4, DIM), lambda g: (g, 0)),
        out_shape=jax.ShapeDtypeStruct((T, DIM), jnp.float32),
    )(next_r, outa, outb, w_used)
    return out

# --- scband reference (transcript-rebuilt; emitter-appended) ---
"""Pipeline reference for scband-moe-layer-76905684402186 (READ-ONLY COPY).

The authoritative reference and input builder live on the scoring server;
editing this copy changes nothing except your own understanding.
"""

import jax, jax.numpy as jnp
import numpy as np

T = 4096      # batch(2) * seq(2048) tokens
DIM = 1024
DFF = 2048
E = 8
K = 2


def setup_inputs(seed: int = 0) -> dict:
    key = jax.random.key(seed)
    ks = jax.random.split(key, 6)
    x = jax.random.normal(ks[0], (T, DIM), dtype=jnp.float32)
    next_r = jnp.zeros((T, DIM), dtype=jnp.float32)
    gate_w = jax.random.normal(ks[1], (E, DIM), dtype=jnp.float32) * 0.02
    # torch stores w1,w3 as [d_ff, dim] (used transposed); w2 as [d_ff, dim] (used directly)
    w1 = jax.random.normal(ks[2], (E, DFF, DIM), dtype=jnp.float32) * 0.02
    w2 = jax.random.normal(ks[3], (E, DFF, DIM), dtype=jnp.float32) * 0.02
    w3 = jax.random.normal(ks[4], (E, DFF, DIM), dtype=jnp.float32) * 0.02
    return {"x": x, "next_r": next_r, "gate_w": gate_w, "w1": w1, "w2": w2, "w3": w3}


def reference(x, next_r, gate_w, w1, w2, w3):
    E_ = gate_w.shape[0]
    K_ = K
    # prep_ins
    gate_logits = x @ gate_w.T
    topk_vals, topk_ids = jax.lax.top_k(gate_logits, K_)
    topk_weight = jax.nn.softmax(topk_vals.astype(jnp.float32), axis=1).astype(x.dtype)
    flat_ids = topk_ids.reshape(-1)
    order = jnp.argsort(flat_ids)
    idxs = order // K_  # NOTE: faithful to source, including its weight-indexing scheme below
    sorted_expert = flat_ids[order]
    # experts_infer: expert_start_idx=0, expert_end_idx=E -> full range on this shard
    # cum[0] == 0 and cum[E] == T*K always (all ids lie in [0, E)), so the
    # idxs[fidx:bidx] slice is statically the full array.
    expert_start_idx, expert_end_idx = 0, E_
    sorted_tokens = x[idxs]
    outs = jnp.zeros((sorted_tokens.shape[0], w2.shape[2]), dtype=x.dtype)
    for e in range(expert_start_idx, expert_end_idx):
        h = jax.nn.silu(sorted_tokens @ w1[e].T) * (sorted_tokens @ w3[e].T)
        o = h @ w2[e]
        outs = jnp.where((sorted_expert == e)[:, None], o, outs)
    outs = outs * topk_weight.reshape(-1)[idxs][:, None]
    # scatter_reduce_(reduce='sum', include_self=True) with next_r as accumulator
    next_r = next_r.at[idxs].add(outs)
    return next_r

if __name__ == "__main__":
    import jax
    _d = setup_inputs()
    print(jax.jit(kernel)(*tuple(_d.values())))

</pallas_src>

<mosaic_0001>
#map = affine_map<(d0, d1) -> (0, 0)>
#map1 = affine_map<(d0, d1) -> (0)>
module attributes {stable_mosaic.version = 14 : i64} {
  func.func @_sc_dispatch_body(%arg0: i32, %arg1: i32, %arg2: memref<4096x1024xf32, #tpu.memory_space<hbm>>, %arg3: memref<4096xi32, #tpu.memory_space<hbm>>, %arg4: memref<4096xi32, #tpu.memory_space<hbm>>, %arg5: memref<10240x1024xf32, #tpu.memory_space<hbm>>, %arg6: memref<128xi32, #tpu.memory_space<vmem>>, %arg7: memref<128xi32, #tpu.memory_space<vmem>>, %arg8: memref<64x1024xf32, #tpu.memory_space<vmem>>) attributes {dimension_semantics = [#tpu.dimension_semantics<core_parallel>, #tpu.dimension_semantics<subcore_parallel>], iteration_bounds = array<i64: 2, 16>, scalar_prefetch = 0 : i64, scratch_operands = 3 : i64, tpu.core_type = #tpu.core_type<sc_vector_subcore>, window_params = [{transform_indices = #map}, {transform_indices = #map1}, {transform_indices = #map1}, {transform_indices = #map}]} {
    %mul3A = arith.constant 2 : i32
    %mul3A_0 = arith.muli %arg1, %mul3A : i32
    %add3A = arith.addi %mul3A_0, %arg0 : i32
    %mul3A_1 = arith.constant 128 : i32
    %mul3A_2 = arith.muli %add3A, %mul3A_1 : i32
    "tpu.region"() ({
      %run_scoped3A = tpu.sem_alloc : memref<!tpu.dma_semaphore, #tpu.memory_space<semaphore_mem>>
      %dma_start3A = tpu.memref_slice %arg3[%mul3A_2] : memref<4096xi32, #tpu.memory_space<hbm>> -> memref<128xi32, #tpu.memory_space<hbm>>
      %dma_start3A_7 = tpu.memref_slice %arg3[%mul3A_2] : memref<4096xi32, #tpu.memory_space<hbm>> -> memref<128xi32, #tpu.memory_space<hbm>>
      tpu.enqueue_dma source(%dma_start3A_7 : memref<128xi32, #tpu.memory_space<hbm>>) target(%arg6 : memref<128xi32, #tpu.memory_space<vmem>>) target_semaphore(%run_scoped3A : memref<!tpu.dma_semaphore, #tpu.memory_space<semaphore_mem>>)
      %dma_wait3A = tpu.memref_slice %arg3[%mul3A_2] : memref<4096xi32, #tpu.memory_space<hbm>> -> memref<128xi32, #tpu.memory_space<hbm>>
      %dma_wait3A_8 = tpu.memref_slice %arg3[%mul3A_2] : memref<4096xi32, #tpu.memory_space<hbm>> -> memref<128xi32, #tpu.memory_space<hbm>>
      tpu.wait_dma2 semaphore(%run_scoped3A : memref<!tpu.dma_semaphore, #tpu.memory_space<semaphore_mem>>) src(%dma_wait3A_8 : memref<128xi32, #tpu.memory_space<hbm>>) dst(%arg6 : memref<128xi32, #tpu.memory_space<vmem>>)
      tpu.yield
    }) : () -> ()
    "tpu.region"() ({
      %run_scoped3A = tpu.sem_alloc : memref<!tpu.dma_semaphore, #tpu.memory_space<semaphore_mem>>
      %dma_start3A = tpu.memref_slice %arg4[%mul3A_2] : memref<4096xi32, #tpu.memory_space<hbm>> -> memref<128xi32, #tpu.memory_space<hbm>>
      %dma_start3A_7 = tpu.memref_slice %arg4[%mul3A_2] : memref<4096xi32, #tpu.memory_space<hbm>> -> memref<128xi32, #tpu.memory_space<hbm>>
      tpu.enqueue_dma source(%dma_start3A_7 : memref<128xi32, #tpu.memory_space<hbm>>) target(%arg7 : memref<128xi32, #tpu.memory_space<vmem>>) target_semaphore(%run_scoped3A : memref<!tpu.dma_semaphore, #tpu.memory_space<semaphore_mem>>)
      %dma_wait3A = tpu.memref_slice %arg4[%mul3A_2] : memref<4096xi32, #tpu.memory_space<hbm>> -> memref<128xi32, #tpu.memory_space<hbm>>
      %dma_wait3A_8 = tpu.memref_slice %arg4[%mul3A_2] : memref<4096xi32, #tpu.memory_space<hbm>> -> memref<128xi32, #tpu.memory_space<hbm>>
      tpu.wait_dma2 semaphore(%run_scoped3A : memref<!tpu.dma_semaphore, #tpu.memory_space<semaphore_mem>>) src(%dma_wait3A_8 : memref<128xi32, #tpu.memory_space<hbm>>) dst(%arg7 : memref<128xi32, #tpu.memory_space<vmem>>)
      tpu.yield
    }) : () -> ()
    %add3A_3 = arith.constant 0 : i32
    %add3A_4 = arith.addi %mul3A_2, %add3A_3 : i32
    "tpu.region"() ({
      %run_scoped3A = tpu.sem_alloc : memref<!tpu.dma_semaphore, #tpu.memory_space<semaphore_mem>>
      %dma_start3A = arith.constant 0 : i32
      %dma_start3A_7 = tpu.memref_slice %arg2[%add3A_4, %dma_start3A] : memref<4096x1024xf32, #tpu.memory_space<hbm>> -> memref<64x1024xf32, #tpu.memory_space<hbm>>
      %dma_start3A_8 = arith.constant 0 : i32
      %dma_start3A_9 = tpu.memref_slice %arg2[%add3A_4, %dma_start3A_8] : memref<4096x1024xf32, #tpu.memory_space<hbm>> -> memref<64x1024xf32, #tpu.memory_space<hbm>>
      tpu.enqueue_dma source(%dma_start3A_9 : memref<64x1024xf32, #tpu.memory_space<hbm>>) target(%arg8 : memref<64x1024xf32, #tpu.memory_space<vmem>>) target_semaphore(%run_scoped3A : memref<!tpu.dma_semaphore, #tpu.memory_space<semaphore_mem>>)
      %dma_wait3A = arith.constant 0 : i32
      %dma_wait3A_10 = tpu.memref_slice %arg2[%add3A_4, %dma_wait3A] : memref<4096x1024xf32, #tpu.memory_space<hbm>> -> memref<64x1024xf32, #tpu.memory_space<hbm>>
      %dma_wait3A_11 = arith.constant 0 : i32
      %dma_wait3A_12 = tpu.memref_slice %arg2[%add3A_4, %dma_wait3A_11] : memref<4096x1024xf32, #tpu.memory_space<hbm>> -> memref<64x1024xf32, #tpu.memory_space<hbm>>
      tpu.wait_dma2 semaphore(%run_scoped3A : memref<!tpu.dma_semaphore, #tpu.memory_space<semaphore_mem>>) src(%dma_wait3A_12 : memref<64x1024xf32, #tpu.memory_space<hbm>>) dst(%arg8 : memref<64x1024xf32, #tpu.memory_space<vmem>>)
      tpu.yield
    }) : () -> ()
    "tpu.region"() ({
      %run_scoped3A = tpu.sem_alloc : memref<!tpu.dma_semaphore, #tpu.memory_space<semaphore_mem>>
      %dma_start3A = arith.constant 0 : i32
      %dma_start3A_7 = tpu.memref_slice %arg6[%dma_start3A] : memref<128xi32, #tpu.memory_space<vmem>> -> memref<64xi32, #tpu.memory_space<vmem>>
      %dma_start3A_8 = arith.constant 0 : i32
      %dma_start3A_9 = arith.constant 0 : i32
      %dma_start3A_10 = tpu.memref_slice %arg5[%dma_start3A_8, %dma_start3A_9] : memref<10240x1024xf32, #tpu.memory_space<hbm>> -> memref<10240x1024xf32, #tpu.memory_space<hbm>>
      tpu.enqueue_indirect_dma source(%arg8 : memref<64x1024xf32, #tpu.memory_space<vmem>>) target(%dma_start3A_10 : memref<10240x1024xf32, #tpu.memory_space<hbm>>) offsets(%dma_start3A_7 : memref<64xi32, #tpu.memory_space<vmem>>) semaphore(%run_scoped3A : memref<!tpu.dma_semaphore, #tpu.memory_space<semaphore_mem>>)
      %dma_wait3A = arith.constant 0 : i32
      %dma_wait3A_11 = tpu.memref_slice %arg6[%dma_wait3A] : memref<128xi32, #tpu.memory_space<vmem>> -> memref<64xi32, #tpu.memory_space<vmem>>
      %dma_wait3A_12 = arith.constant 0 : i32
      %dma_wait3A_13 = arith.constant 0 : i32
      %dma_wait3A_14 = tpu.memref_slice %arg5[%dma_wait3A_12, %dma_wait3A_13] : memref<10240x1024xf32, #tpu.memory_space<hbm>> -> memref<10240x1024xf32, #tpu.memory_space<hbm>>
      tpu.wait_indirect_dma semaphore(%run_scoped3A : memref<!tpu.dma_semaphore, #tpu.memory_space<semaphore_mem>>) src(%arg8 : memref<64x1024xf32, #tpu.memory_space<vmem>>) dst(%dma_wait3A_14 : memref<10240x1024xf32, #tpu.memory_space<hbm>>)
      tpu.yield
    }) : () -> ()
    "tpu.region"() ({
      %run_scoped3A = tpu.sem_alloc : memref<!tpu.dma_semaphore, #tpu.memory_space<semaphore_mem>>
      %dma_start3A = arith.constant 0 : i32
      %dma_start3A_7 = tpu.memref_slice %arg7[%dma_start3A] : memref<128xi32, #tpu.memory_space<vmem>> -> memref<64xi32, #tpu.memory_space<vmem>>
      %dma_start3A_8 = arith.constant 0 : i32
      %dma_start3A_9 = arith.constant 0 : i32
      %dma_start3A_10 = tpu.memref_slice %arg5[%dma_start3A_8, %dma_start3A_9] : memref<10240x1024xf32, #tpu.memory_space<hbm>> -> memref<10240x1024xf32, #tpu.memory_space<hbm>>
      tpu.enqueue_indirect_dma source(%arg8 : memref<64x1024xf32, #tpu.memory_space<vmem>>) target(%dma_start3A_10 : memref<10240x1024xf32, #tpu.memory_space<hbm>>) offsets(%dma_start3A_7 : memref<64xi32, #tpu.memory_space<vmem>>) semaphore(%run_scoped3A : memref<!tpu.dma_semaphore, #tpu.memory_space<semaphore_mem>>)
      %dma_wait3A = arith.constant 0 : i32
      %dma_wait3A_11 = tpu.memref_slice %arg7[%dma_wait3A] : memref<128xi32, #tpu.memory_space<vmem>> -> memref<64xi32, #tpu.memory_space<vmem>>
      %dma_wait3A_12 = arith.constant 0 : i32
      %dma_wait3A_13 = arith.constant 0 : i32
      %dma_wait3A_14 = tpu.memref_slice %arg5[%dma_wait3A_12, %dma_wait3A_13] : memref<10240x1024xf32, #tpu.memory_space<hbm>> -> memref<10240x1024xf32, #tpu.memory_space<hbm>>
      tpu.wait_indirect_dma semaphore(%run_scoped3A : memref<!tpu.dma_semaphore, #tpu.memory_space<semaphore_mem>>) src(%arg8 : memref<64x1024xf32, #tpu.memory_space<vmem>>) dst(%dma_wait3A_14 : memref<10240x1024xf32, #tpu.memory_space<hbm>>)
      tpu.yield
    }) : () -> ()
    %add3A_5 = arith.constant 64 : i32
    %add3A_6 = arith.addi %mul3A_2, %add3A_5 : i32
    "tpu.region"() ({
      %run_scoped3A = tpu.sem_alloc : memref<!tpu.dma_semaphore, #tpu.memory_space<semaphore_mem>>
      %dma_start3A = arith.constant 0 : i32
      %dma_start3A_7 = tpu.memref_slice %arg2[%add3A_6, %dma_start3A] : memref<4096x1024xf32, #tpu.memory_space<hbm>> -> memref<64x1024xf32, #tpu.memory_space<hbm>>
      %dma_start3A_8 = arith.constant 0 : i32
      %dma_start3A_9 = tpu.memref_slice %arg2[%add3A_6, %dma_start3A_8] : memref<4096x1024xf32, #tpu.memory_space<hbm>> -> memref<64x1024xf32, #tpu.memory_space<hbm>>
      tpu.enqueue_dma source(%dma_start3A_9 : memref<64x1024xf32, #tpu.memory_space<hbm>>) target(%arg8 : memref<64x1024xf32, #tpu.memory_space<vmem>>) target_semaphore(%run_scoped3A : memref<!tpu.dma_semaphore, #tpu.memory_space<semaphore_mem>>)
      %dma_wait3A = arith.constant 0 : i32
      %dma_wait3A_10 = tpu.memref_slice %arg2[%add3A_6, %dma_wait3A] : memref<4096x1024xf32, #tpu.memory_space<hbm>> -> memref<64x1024xf32, #tpu.memory_space<hbm>>
      %dma_wait3A_11 = arith.constant 0 : i32
      %dma_wait3A_12 = tpu.memref_slice %arg2[%add3A_6, %dma_wait3A_11] : memref<4096x1024xf32, #tpu.memory_space<hbm>> -> memref<64x1024xf32, #tpu.memory_space<hbm>>
      tpu.wait_dma2 semaphore(%run_scoped3A : memref<!tpu.dma_semaphore, #tpu.memory_space<semaphore_mem>>) src(%dma_wait3A_12 : memref<64x1024xf32, #tpu.memory_space<hbm>>) dst(%arg8 : memref<64x1024xf32, #tpu.memory_space<vmem>>)
      tpu.yield
    }) : () -> ()
    "tpu.region"() ({
      %run_scoped3A = tpu.sem_alloc : memref<!tpu.dma_semaphore, #tpu.memory_space<semaphore_mem>>
      %dma_start3A = arith.constant 64 : i32
      %dma_start3A_7 = tpu.memref_slice %arg6[%dma_start3A] : memref<128xi32, #tpu.memory_space<vmem>> -> memref<64xi32, #tpu.memory_space<vmem>>
      %dma_start3A_8 = arith.constant 0 : i32
      %dma_start3A_9 = arith.constant 0 : i32
      %dma_start3A_10 = tpu.memref_slice %arg5[%dma_start3A_8, %dma_start3A_9] : memref<10240x1024xf32, #tpu.memory_space<hbm>> -> memref<10240x1024xf32, #tpu.memory_space<hbm>>
      tpu.enqueue_indirect_dma source(%arg8 : memref<64x1024xf32, #tpu.memory_space<vmem>>) target(%dma_start3A_10 : memref<10240x1024xf32, #tpu.memory_space<hbm>>) offsets(%dma_start3A_7 : memref<64xi32, #tpu.memory_space<vmem>>) semaphore(%run_scoped3A : memref<!tpu.dma_semaphore, #tpu.memory_space<semaphore_mem>>)
      %dma_wait3A = arith.constant 64 : i32
      %dma_wait3A_11 = tpu.memref_slice %arg6[%dma_wait3A] : memref<128xi32, #tpu.memory_space<vmem>> -> memref<64xi32, #tpu.memory_space<vmem>>
      %dma_wait3A_12 = arith.constant 0 : i32
      %dma_wait3A_13 = arith.constant 0 : i32
      %dma_wait3A_14 = tpu.memref_slice %arg5[%dma_wait3A_12, %dma_wait3A_13] : memref<10240x1024xf32, #tpu.memory_space<hbm>> -> memref<10240x1024xf32, #tpu.memory_space<hbm>>
      tpu.wait_indirect_dma semaphore(%run_scoped3A : memref<!tpu.dma_semaphore, #tpu.memory_space<semaphore_mem>>) src(%arg8 : memref<64x1024xf32, #tpu.memory_space<vmem>>) dst(%dma_wait3A_14 : memref<10240x1024xf32, #tpu.memory_space<hbm>>)
      tpu.yield
    }) : () -> ()
    "tpu.region"() ({
      %run_scoped3A = tpu.sem_alloc : memref<!tpu.dma_semaphore, #tpu.memory_space<semaphore_mem>>
      %dma_start3A = arith.constant 64 : i32
      %dma_start3A_7 = tpu.memref_slice %arg7[%dma_start3A] : memref<128xi32, #tpu.memory_space<vmem>> -> memref<64xi32, #tpu.memory_space<vmem>>
      %dma_start3A_8 = arith.constant 0 : i32
      %dma_start3A_9 = arith.constant 0 : i32
      %dma_start3A_10 = tpu.memref_slice %arg5[%dma_start3A_8, %dma_start3A_9] : memref<10240x1024xf32, #tpu.memory_space<hbm>> -> memref<10240x1024xf32, #tpu.memory_space<hbm>>
      tpu.enqueue_indirect_dma source(%arg8 : memref<64x1024xf32, #tpu.memory_space<vmem>>) target(%dma_start3A_10 : memref<10240x1024xf32, #tpu.memory_space<hbm>>) offsets(%dma_start3A_7 : memref<64xi32, #tpu.memory_space<vmem>>) semaphore(%run_scoped3A : memref<!tpu.dma_semaphore, #tpu.memory_space<semaphore_mem>>)
      %dma_wait3A = arith.constant 64 : i32
      %dma_wait3A_11 = tpu.memref_slice %arg7[%dma_wait3A] : memref<128xi32, #tpu.memory_space<vmem>> -> memref<64xi32, #tpu.memory_space<vmem>>
      %dma_wait3A_12 = arith.constant 0 : i32
      %dma_wait3A_13 = arith.constant 0 : i32
      %dma_wait3A_14 = tpu.memref_slice %arg5[%dma_wait3A_12, %dma_wait3A_13] : memref<10240x1024xf32, #tpu.memory_space<hbm>> -> memref<10240x1024xf32, #tpu.memory_space<hbm>>
      tpu.wait_indirect_dma semaphore(%run_scoped3A : memref<!tpu.dma_semaphore, #tpu.memory_space<semaphore_mem>>) src(%arg8 : memref<64x1024xf32, #tpu.memory_space<vmem>>) dst(%dma_wait3A_14 : memref<10240x1024xf32, #tpu.memory_space<hbm>>)
      tpu.yield
    }) : () -> ()
    return
  }
}

#map = affine_map<(d0, d1) -> (0, 0)>
#map1 = affine_map<(d0, d1) -> (0)>
module attributes {stable_mosaic.version = 14 : i64} {
  func.func @_sc_unsort_body(%arg0: i32, %arg1: i32, %arg2: memref<10240x1024xf32, #tpu.memory_space<hbm>>, %arg3: memref<4096xi32, #tpu.memory_space<hbm>>, %arg4: memref<4096xi32, #tpu.memory_space<hbm>>, %arg5: memref<4096x1024xf32, #tpu.memory_space<hbm>>, %arg6: memref<4096x1024xf32, #tpu.memory_space<hbm>>, %arg7: memref<128xi32, #tpu.memory_space<vmem>>, %arg8: memref<64x1024xf32, #tpu.memory_space<vmem>>) attributes {dimension_semantics = [#tpu.dimension_semantics<core_parallel>, #tpu.dimension_semantics<subcore_parallel>], iteration_bounds = array<i64: 2, 16>, scalar_prefetch = 0 : i64, scratch_operands = 2 : i64, tpu.core_type = #tpu.core_type<sc_vector_subcore>, window_params = [{transform_indices = #map}, {transform_indices = #map1}, {transform_indices = #map1}, {transform_indices = #map}, {transform_indices = #map}]} {
    %mul3A = arith.constant 2 : i32
    %mul3A_0 = arith.muli %arg1, %mul3A : i32
    %add3A = arith.addi %mul3A_0, %arg0 : i32
    %mul3A_1 = arith.constant 128 : i32
    %mul3A_2 = arith.muli %add3A, %mul3A_1 : i32
    "tpu.region"() ({
      %run_scoped3A = tpu.sem_alloc : memref<!tpu.dma_semaphore, #tpu.memory_space<semaphore_mem>>
      %dma_start3A = tpu.memref_slice %arg3[%mul3A_2] : memref<4096xi32, #tpu.memory_space<hbm>> -> memref<128xi32, #tpu.memory_space<hbm>>
      %dma_start3A_11 = tpu.memref_slice %arg3[%mul3A_2] : memref<4096xi32, #tpu.memory_space<hbm>> -> memref<128xi32, #tpu.memory_space<hbm>>
      tpu.enqueue_dma source(%dma_start3A_11 : memref<128xi32, #tpu.memory_space<hbm>>) target(%arg7 : memref<128xi32, #tpu.memory_space<vmem>>) target_semaphore(%run_scoped3A : memref<!tpu.dma_semaphore, #tpu.memory_space<semaphore_mem>>)
      %dma_wait3A = tpu.memref_slice %arg3[%mul3A_2] : memref<4096xi32, #tpu.memory_space<hbm>> -> memref<128xi32, #tpu.memory_space<hbm>>
      %dma_wait3A_12 = tpu.memref_slice %arg3[%mul3A_2] : memref<4096xi32, #tpu.memory_space<hbm>> -> memref<128xi32, #tpu.memory_space<hbm>>
      tpu.wait_dma2 semaphore(%run_scoped3A : memref<!tpu.dma_semaphore, #tpu.memory_space<semaphore_mem>>) src(%dma_wait3A_12 : memref<128xi32, #tpu.memory_space<hbm>>) dst(%arg7 : memref<128xi32, #tpu.memory_space<vmem>>)
      tpu.yield
    }) : () -> ()
    %add3A_3 = arith.constant 0 : i32
    %add3A_4 = arith.addi %mul3A_2, %add3A_3 : i32
    "tpu.region"() ({
      %run_scoped3A = tpu.sem_alloc : memref<!tpu.dma_semaphore, #tpu.memory_space<semaphore_mem>>
      %dma_start3A = arith.constant 0 : i32
      %dma_start3A_11 = tpu.memref_slice %arg7[%dma_start3A] : memref<128xi32, #tpu.memory_space<vmem>> -> memref<64xi32, #tpu.memory_space<vmem>>
      %dma_start3A_12 = arith.constant 0 : i32
      %dma_start3A_13 = arith.constant 0 : i32
      %dma_start3A_14 = tpu.memref_slice %arg2[%dma_start3A_12, %dma_start3A_13] : memref<10240x1024xf32, #tpu.memory_space<hbm>> -> memref<10240x1024xf32, #tpu.memory_space<hbm>>
      tpu.enqueue_indirect_dma source(%dma_start3A_14 : memref<10240x1024xf32, #tpu.memory_space<hbm>>) target(%arg8 : memref<64x1024xf32, #tpu.memory_space<vmem>>) offsets(%dma_start3A_11 : memref<64xi32, #tpu.memory_space<vmem>>) semaphore(%run_scoped3A : memref<!tpu.dma_semaphore, #tpu.memory_space<semaphore_mem>>)
      %dma_wait3A = arith.constant 0 : i32
      %dma_wait3A_15 = tpu.memref_slice %arg7[%dma_wait3A] : memref<128xi32, #tpu.memory_space<vmem>> -> memref<64xi32, #tpu.memory_space<vmem>>
      %dma_wait3A_16 = arith.constant 0 : i32
      %dma_wait3A_17 = arith.constant 0 : i32
      %dma_wait3A_18 = tpu.memref_slice %arg2[%dma_wait3A_16, %dma_wait3A_17] : memref<10240x1024xf32, #tpu.memory_space<hbm>> -> memref<10240x1024xf32, #tpu.memory_space<hbm>>
      tpu.wait_indirect_dma semaphore(%run_scoped3A : memref<!tpu.dma_semaphore, #tpu.memory_space<semaphore_mem>>) src(%dma_wait3A_18 : memref<10240x1024xf32, #tpu.memory_space<hbm>>) dst(%arg8 : memref<64x1024xf32, #tpu.memory_space<vmem>>)
      tpu.yield
    }) : () -> ()
    "tpu.region"() ({
      %run_scoped3A = tpu.sem_alloc : memref<!tpu.dma_semaphore, #tpu.memory_space<semaphore_mem>>
      %dma_start3A = arith.constant 0 : i32
      %dma_start3A_11 = tpu.memref_slice %arg5[%add3A_4, %dma_start3A] : memref<4096x1024xf32, #tpu.memory_space<hbm>> -> memref<64x1024xf32, #tpu.memory_space<hbm>>
      %dma_start3A_12 = arith.constant 0 : i32
      %dma_start3A_13 = tpu.memref_slice %arg5[%add3A_4, %dma_start3A_12] : memref<4096x1024xf32, #tpu.memory_space<hbm>> -> memref<64x1024xf32, #tpu.memory_space<hbm>>
      tpu.enqueue_dma source(%arg8 : memref<64x1024xf32, #tpu.memory_space<vmem>>) target(%dma_start3A_13 : memref<64x1024xf32, #tpu.memory_space<hbm>>) target_semaphore(%run_scoped3A : memref<!tpu.dma_semaphore, #tpu.memory_space<semaphore_mem>>)
      %dma_wait3A = arith.constant 0 : i32
      %dma_wait3A_14 = tpu.memref_slice %arg5[%add3A_4, %dma_wait3A] : memref<4096x1024xf32, #tpu.memory_space<hbm>> -> memref<64x1024xf32, #tpu.memory_space<hbm>>
      %dma_wait3A_15 = arith.constant 0 : i32
      %dma_wait3A_16 = tpu.memref_slice %arg5[%add3A_4, %dma_wait3A_15] : memref<4096x1024xf32, #tpu.memory_space<hbm>> -> memref<64x1024xf32, #tpu.memory_space<hbm>>
      tpu.wait_dma2 semaphore(%run_scoped3A : memref<!tpu.dma_semaphore, #tpu.memory_space<semaphore_mem>>) src(%arg8 : memref<64x1024xf32, #tpu.memory_space<vmem>>) dst(%dma_wait3A_16 : memref<64x1024xf32, #tpu.memory_space<hbm>>)
      tpu.yield
    }) : () -> ()
    %add3A_5 = arith.constant 64 : i32
    %add3A_6 = arith.addi %mul3A_2, %add3A_5 : i32
    "tpu.region"() ({
      %run_scoped3A = tpu.sem_alloc : memref<!tpu.dma_semaphore, #tpu.memory_space<semaphore_mem>>
      %dma_start3A = arith.constant 64 : i32
      %dma_start3A_11 = tpu.memref_slice %arg7[%dma_start3A] : memref<128xi32, #tpu.memory_space<vmem>> -> memref<64xi32, #tpu.memory_space<vmem>>
      %dma_start3A_12 = arith.constant 0 : i32
      %dma_start3A_13 = arith.constant 0 : i32
      %dma_start3A_14 = tpu.memref_slice %arg2[%dma_start3A_12, %dma_start3A_13] : memref<10240x1024xf32, #tpu.memory_space<hbm>> -> memref<10240x1024xf32, #tpu.memory_space<hbm>>
      tpu.enqueue_indirect_dma source(%dma_start3A_14 : memref<10240x1024xf32, #tpu.memory_space<hbm>>) target(%arg8 : memref<64x1024xf32, #tpu.memory_space<vmem>>) offsets(%dma_start3A_11 : memref<64xi32, #tpu.memory_space<vmem>>) semaphore(%run_scoped3A : memref<!tpu.dma_semaphore, #tpu.memory_space<semaphore_mem>>)
      %dma_wait3A = arith.constant 64 : i32
      %dma_wait3A_15 = tpu.memref_slice %arg7[%dma_wait3A] : memref<128xi32, #tpu.memory_space<vmem>> -> memref<64xi32, #tpu.memory_space<vmem>>
      %dma_wait3A_16 = arith.constant 0 : i32
      %dma_wait3A_17 = arith.constant 0 : i32
      %dma_wait3A_18 = tpu.memref_slice %arg2[%dma_wait3A_16, %dma_wait3A_17] : memref<10240x1024xf32, #tpu.memory_space<hbm>> -> memref<10240x1024xf32, #tpu.memory_space<hbm>>
      tpu.wait_indirect_dma semaphore(%run_scoped3A : memref<!tpu.dma_semaphore, #tpu.memory_space<semaphore_mem>>) src(%dma_wait3A_18 : memref<10240x1024xf32, #tpu.memory_space<hbm>>) dst(%arg8 : memref<64x1024xf32, #tpu.memory_space<vmem>>)
      tpu.yield
    }) : () -> ()
    "tpu.region"() ({
      %run_scoped3A = tpu.sem_alloc : memref<!tpu.dma_semaphore, #tpu.memory_space<semaphore_mem>>
      %dma_start3A = arith.constant 0 : i32
      %dma_start3A_11 = tpu.memref_slice %arg5[%add3A_6, %dma_start3A] : memref<4096x1024xf32, #tpu.memory_space<hbm>> -> memref<64x1024xf32, #tpu.memory_space<hbm>>
      %dma_start3A_12 = arith.constant 0 : i32
      %dma_start3A_13 = tpu.memref_slice %arg5[%add3A_6, %dma_start3A_12] : memref<4096x1024xf32, #tpu.memory_space<hbm>> -> memref<64x1024xf32, #tpu.memory_space<hbm>>
      tpu.enqueue_dma source(%arg8 : memref<64x1024xf32, #tpu.memory_space<vmem>>) target(%dma_start3A_13 : memref<64x1024xf32, #tpu.memory_space<hbm>>) target_semaphore(%run_scoped3A : memref<!tpu.dma_semaphore, #tpu.memory_space<semaphore_mem>>)
      %dma_wait3A = arith.constant 0 : i32
      %dma_wait3A_14 = tpu.memref_slice %arg5[%add3A_6, %dma_wait3A] : memref<4096x1024xf32, #tpu.memory_space<hbm>> -> memref<64x1024xf32, #tpu.memory_space<hbm>>
      %dma_wait3A_15 = arith.constant 0 : i32
      %dma_wait3A_16 = tpu.memref_slice %arg5[%add3A_6, %dma_wait3A_15] : memref<4096x1024xf32, #tpu.memory_space<hbm>> -> memref<64x1024xf32, #tpu.memory_space<hbm>>
      tpu.wait_dma2 semaphore(%run_scoped3A : memref<!tpu.dma_semaphore, #tpu.memory_space<semaphore_mem>>) src(%arg8 : memref<64x1024xf32, #tpu.memory_space<vmem>>) dst(%dma_wait3A_16 : memref<64x1024xf32, #tpu.memory_space<hbm>>)
      tpu.yield
    }) : () -> ()
    "tpu.region"() ({
      %run_scoped3A = tpu.sem_alloc : memref<!tpu.dma_semaphore, #tpu.memory_space<semaphore_mem>>
      %dma_start3A = tpu.memref_slice %arg4[%mul3A_2] : memref<4096xi32, #tpu.memory_space<hbm>> -> memref<128xi32, #tpu.memory_space<hbm>>
      %dma_start3A_11 = tpu.memref_slice %arg4[%mul3A_2] : memref<4096xi32, #tpu.memory_space<hbm>> -> memref<128xi32, #tpu.memory_space<hbm>>
      tpu.enqueue_dma source(%dma_start3A_11 : memref<128xi32, #tpu.memory_space<hbm>>) target(%arg7 : memref<128xi32, #tpu.memory_space<vmem>>) target_semaphore(%run_scoped3A : memref<!tpu.dma_semaphore, #tpu.memory_space<semaphore_mem>>)
      %dma_wait3A = tpu.memref_slice %arg4[%mul3A_2] : memref<4096xi32, #tpu.memory_space<hbm>> -> memref<128xi32, #tpu.memory_space<hbm>>
      %dma_wait3A_12 = tpu.memref_slice %arg4[%mul3A_2] : memref<4096xi32, #tpu.memory_space<hbm>> -> memref<128xi32, #tpu.memory_space<hbm>>
      tpu.wait_dma2 semaphore(%run_scoped3A : memref<!tpu.dma_semaphore, #tpu.memory_space<semaphore_mem>>) src(%dma_wait3A_12 : memref<128xi32, #tpu.memory_space<hbm>>) dst(%arg7 : memref<128xi32, #tpu.memory_space<vmem>>)
      tpu.yield
    }) : () -> ()
    %add3A_7 = arith.constant 0 : i32
    %add3A_8 = arith.addi %mul3A_2, %add3A_7 : i32
    "tpu.region"() ({
      %run_scoped3A = tpu.sem_alloc : memref<!tpu.dma_semaphore, #tpu.memory_space<semaphore_mem>>
      %dma_start3A = arith.constant 0 : i32
      %dma_start3A_11 = tpu.memref_slice %arg7[%dma_start3A] : memref<128xi32, #tpu.memory_space<vmem>> -> memref<64xi32, #tpu.memory_space<vmem>>
      %dma_start3A_12 = arith.constant 0 : i32
      %dma_start3A_13 = arith.constant 0 : i32
      %dma_start3A_14 = tpu.memref_slice %arg2[%dma_start3A_12, %dma_start3A_13] : memref<10240x1024xf32, #tpu.memory_space<hbm>> -> memref<10240x1024xf32, #tpu.memory_space<hbm>>
      tpu.enqueue_indirect_dma source(%dma_start3A_14 : memref<10240x1024xf32, #tpu.memory_space<hbm>>) target(%arg8 : memref<64x1024xf32, #tpu.memory_space<vmem>>) offsets(%dma_start3A_11 : memref<64xi32, #tpu.memory_space<vmem>>) semaphore(%run_scoped3A : memref<!tpu.dma_semaphore, #tpu.memory_space<semaphore_mem>>)
      %dma_wait3A = arith.constant 0 : i32
      %dma_wait3A_15 = tpu.memref_slice %arg7[%dma_wait3A] : memref<128xi32, #tpu.memory_space<vmem>> -> memref<64xi32, #tpu.memory_space<vmem>>
      %dma_wait3A_16 = arith.constant 0 : i32
      %dma_wait3A_17 = arith.constant 0 : i32
      %dma_wait3A_18 = tpu.memref_slice %arg2[%dma_wait3A_16, %dma_wait3A_17] : memref<10240x1024xf32, #tpu.memory_space<hbm>> -> memref<10240x1024xf32, #tpu.memory_space<hbm>>
      tpu.wait_indirect_dma semaphore(%run_scoped3A : memref<!tpu.dma_semaphore, #tpu.memory_space<semaphore_mem>>) src(%dma_wait3A_18 : memref<10240x1024xf32, #tpu.memory_space<hbm>>) dst(%arg8 : memref<64x1024xf32, #tpu.memory_space<vmem>>)
      tpu.yield
    }) : () -> ()
    "tpu.region"() ({
      %run_scoped3A = tpu.sem_alloc : memref<!tpu.dma_semaphore, #tpu.memory_space<semaphore_mem>>
      %dma_start3A = arith.constant 0 : i32
      %dma_start3A_11 = tpu.memref_slice %arg6[%add3A_8, %dma_start3A] : memref<4096x1024xf32, #tpu.memory_space<hbm>> -> memref<64x1024xf32, #tpu.memory_space<hbm>>
      %dma_start3A_12 = arith.constant 0 : i32
      %dma_start3A_13 = tpu.memref_slice %arg6[%add3A_8, %dma_start3A_12] : memref<4096x1024xf32, #tpu.memory_space<hbm>> -> memref<64x1024xf32, #tpu.memory_space<hbm>>
      tpu.enqueue_dma source(%arg8 : memref<64x1024xf32, #tpu.memory_space<vmem>>) target(%dma_start3A_13 : memref<64x1024xf32, #tpu.memory_space<hbm>>) target_semaphore(%run_scoped3A : memref<!tpu.dma_semaphore, #tpu.memory_space<semaphore_mem>>)
      %dma_wait3A = arith.constant 0 : i32
      %dma_wait3A_14 = tpu.memref_slice %arg6[%add3A_8, %dma_wait3A] : memref<4096x1024xf32, #tpu.memory_space<hbm>> -> memref<64x1024xf32, #tpu.memory_space<hbm>>
      %dma_wait3A_15 = arith.constant 0 : i32
      %dma_wait3A_16 = tpu.memref_slice %arg6[%add3A_8, %dma_wait3A_15] : memref<4096x1024xf32, #tpu.memory_space<hbm>> -> memref<64x1024xf32, #tpu.memory_space<hbm>>
      tpu.wait_dma2 semaphore(%run_scoped3A : memref<!tpu.dma_semaphore, #tpu.memory_space<semaphore_mem>>) src(%arg8 : memref<64x1024xf32, #tpu.memory_space<vmem>>) dst(%dma_wait3A_16 : memref<64x1024xf32, #tpu.memory_space<hbm>>)
      tpu.yield
    }) : () -> ()
    %add3A_9 = arith.constant 64 : i32
    %add3A_10 = arith.addi %mul3A_2, %add3A_9 : i32
    "tpu.region"() ({
      %run_scoped3A = tpu.sem_alloc : memref<!tpu.dma_semaphore, #tpu.memory_space<semaphore_mem>>
      %dma_start3A = arith.constant 64 : i32
      %dma_start3A_11 = tpu.memref_slice %arg7[%dma_start3A] : memref<128xi32, #tpu.memory_space<vmem>> -> memref<64xi32, #tpu.memory_space<vmem>>
      %dma_start3A_12 = arith.constant 0 : i32
      %dma_start3A_13 = arith.constant 0 : i32
      %dma_start3A_14 = tpu.memref_slice %arg2[%dma_start3A_12, %dma_start3A_13] : memref<10240x1024xf32, #tpu.memory_space<hbm>> -> memref<10240x1024xf32, #tpu.memory_space<hbm>>
      tpu.enqueue_indirect_dma source(%dma_start3A_14 : memref<10240x1024xf32, #tpu.memory_space<hbm>>) target(%arg8 : memref<64x1024xf32, #tpu.memory_space<vmem>>) offsets(%dma_start3A_11 : memref<64xi32, #tpu.memory_space<vmem>>) semaphore(%run_scoped3A : memref<!tpu.dma_semaphore, #tpu.memory_space<semaphore_mem>>)
      %dma_wait3A = arith.constant 64 : i32
      %dma_wait3A_15 = tpu.memref_slice %arg7[%dma_wait3A] : memref<128xi32, #tpu.memory_space<vmem>> -> memref<64xi32, #tpu.memory_space<vmem>>
      %dma_wait3A_16 = arith.constant 0 : i32
      %dma_wait3A_17 = arith.constant 0 : i32
      %dma_wait3A_18 = tpu.memref_slice %arg2[%dma_wait3A_16, %dma_wait3A_17] : memref<10240x1024xf32, #tpu.memory_space<hbm>> -> memref<10240x1024xf32, #tpu.memory_space<hbm>>
      tpu.wait_indirect_dma semaphore(%run_scoped3A : memref<!tpu.dma_semaphore, #tpu.memory_space<semaphore_mem>>) src(%dma_wait3A_18 : memref<10240x1024xf32, #tpu.memory_space<hbm>>) dst(%arg8 : memref<64x1024xf32, #tpu.memory_space<vmem>>)
      tpu.yield
    }) : () -> ()
    "tpu.region"() ({
      %run_scoped3A = tpu.sem_alloc : memref<!tpu.dma_semaphore, #tpu.memory_space<semaphore_mem>>
      %dma_start3A = arith.constant 0 : i32
      %dma_start3A_11 = tpu.memref_slice %arg6[%add3A_10, %dma_start3A] : memref<4096x1024xf32, #tpu.memory_space<hbm>> -> memref<64x1024xf32, #tpu.memory_space<hbm>>
      %dma_start3A_12 = arith.constant 0 : i32
      %dma_start3A_13 = tpu.memref_slice %arg6[%add3A_10, %dma_start3A_12] : memref<4096x1024xf32, #tpu.memory_space<hbm>> -> memref<64x1024xf32, #tpu.memory_space<hbm>>
      tpu.enqueue_dma source(%arg8 : memref<64x1024xf32, #tpu.memory_space<vmem>>) target(%dma_start3A_13 : memref<64x1024xf32, #tpu.memory_space<hbm>>) target_semaphore(%run_scoped3A : memref<!tpu.dma_semaphore, #tpu.memory_space<semaphore_mem>>)
      %dma_wait3A = arith.constant 0 : i32
      %dma_wait3A_14 = tpu.memref_slice %arg6[%add3A_10, %dma_wait3A] : memref<4096x1024xf32, #tpu.memory_space<hbm>> -> memref<64x1024xf32, #tpu.memory_space<hbm>>
      %dma_wait3A_15 = arith.constant 0 : i32
      %dma_wait3A_16 = tpu.memref_slice %arg6[%add3A_10, %dma_wait3A_15] : memref<4096x1024xf32, #tpu.memory_space<hbm>> -> memref<64x1024xf32, #tpu.memory_space<hbm>>
      tpu.wait_dma2 semaphore(%run_scoped3A : memref<!tpu.dma_semaphore, #tpu.memory_space<semaphore_mem>>) src(%arg8 : memref<64x1024xf32, #tpu.memory_space<vmem>>) dst(%dma_wait3A_16 : memref<64x1024xf32, #tpu.memory_space<hbm>>)
      tpu.yield
    }) : () -> ()
    return
  }
}

module attributes {stable_mosaic.version = 14 : i64} {
  func.func @_ffn_body(%arg0: i32, %arg1: i32, %arg2: memref<80xi32, #tpu.memory_space<smem>>, %arg3: memref<80xi32, #tpu.memory_space<smem>>, %arg4: memref<256x1024xf32, #tpu.memory_space<vmem>>, %arg5: memref<1x2048x1024xf32, #tpu.memory_space<vmem>>, %arg6: memref<1x2048x1024xf32, #tpu.memory_space<vmem>>, %arg7: memref<1x2048x1024xf32, #tpu.memory_space<vmem>>, %arg8: memref<256x1024xf32, #tpu.memory_space<vmem>>) attributes {dimension_semantics = [#tpu.dimension_semantics<arbitrary>, #tpu.dimension_semantics<arbitrary>], iteration_bounds = array<i64: 40, 1>, scalar_prefetch = 2 : i64, scratch_operands = 0 : i64, tpu.core_type = #tpu.core_type<tc>, window_params = [{transform_indices = @transform_0, window_bounds = array<i64: 256, 1024>}, {transform_indices = @transform_1, window_bounds = array<i64: 1, 2048, 1024>}, {transform_indices = @transform_2, window_bounds = array<i64: 1, 2048, 1024>}, {transform_indices = @transform_3, window_bounds = array<i64: 1, 2048, 1024>}, {transform_indices = @transform_4, window_bounds = array<i64: 256, 1024>}]} {
    %get3A = arith.index_cast %arg0 : i32 to index
    %get3A_0 = memref.load %arg3[%get3A] : memref<80xi32, #tpu.memory_space<smem>>
    %eq3A = arith.constant 1 : i32
    %eq3A_1 = arith.cmpi eq, %get3A_0, %eq3A : i32
    %convert_element_type3A = arith.extui %eq3A_1 : i1 to i32
    %cond3A = arith.constant 0 : i32
    %cond3A_2 = arith.cmpi ne, %convert_element_type3A, %cond3A : i32
    scf.if %cond3A_2 {
      %eq3A_3 = arith.constant 0 : i32
      %eq3A_4 = arith.cmpi eq, %arg1, %eq3A_3 : i32
      %convert_element_type3A_5 = arith.extui %eq3A_4 : i1 to i32
      %cond3A_6 = arith.constant 0 : i32
      %cond3A_7 = arith.cmpi ne, %convert_element_type3A_5, %cond3A_6 : i32
      scf.if %cond3A_7 {
        %broadcast_in_dim3A = arith.constant 0.000000e+00 : f32
        %broadcast_in_dim3A_42 = vector.broadcast %broadcast_in_dim3A : f32 to vector<256x1024xf32>
        %swap3A_43 = arith.constant 0 : index
        %swap3A_44 = arith.constant 0 : index
        %swap3A_45 = vector.load %arg8[%swap3A_43, %swap3A_44] : memref<256x1024xf32, #tpu.memory_space<vmem>>, vector<256x1024xf32>
        tpu.vector_store %arg8[%swap3A_43, %swap3A_44], %broadcast_in_dim3A_42 {strides = array<i32>} : memref<256x1024xf32, #tpu.memory_space<vmem>>, vector<256x1024xf32>,
      } else {
      }
      %get3A_8 = arith.constant 0 : index
      %get3A_9 = arith.constant 0 : index
      %get3A_10 = vector.load %arg4[%get3A_8, %get3A_9] : memref<256x1024xf32, #tpu.memory_space<vmem>>, vector<256x1024xf32>
      %get3A_11 = arith.constant 0 : index
      %get3A_12 = arith.constant 0 : index
      %get3A_13 = arith.constant 0 : index
      %get3A_14 = vector.load %arg5[%get3A_11, %get3A_12, %get3A_13] : memref<1x2048x1024xf32, #tpu.memory_space<vmem>>, vector<1x2048x1024xf32>
      %get3A_15 = vector.shape_cast %get3A_14 : vector<1x2048x1024xf32> to vector<2048x1024xf32>
      %dot_general3A = arith.constant dense<0.000000e+00> : vector<256x2048xf32>
      %dot_general3A_16 = tpu.matmul %get3A_10, %get3A_15, %dot_general3A {dimension_numbers = #tpu.dot_dimension_numbers<[1], [1], [0], [0], [0, 0, 1, 0], [], []>, transpose_lhs_hint = false} : vector<256x1024xf32>, vector<2048x1024xf32>, vector<256x2048xf32> -> vector<256x2048xf32>
      %get3A_17 = arith.constant 0 : index
      %get3A_18 = arith.constant 0 : index
      %get3A_19 = arith.constant 0 : index
      %get3A_20 = vector.load %arg6[%get3A_17, %get3A_18, %get3A_19] : memref<1x2048x1024xf32, #tpu.memory_space<vmem>>, vector<1x2048x1024xf32>
      %get3A_21 = vector.shape_cast %get3A_20 : vector<1x2048x1024xf32> to vector<2048x1024xf32>
      %dot_general3A_22 = arith.constant dense<0.000000e+00> : vector<256x2048xf32>
      %dot_general3A_23 = tpu.matmul %get3A_10, %get3A_21, %dot_general3A_22 {dimension_numbers = #tpu.dot_dimension_numbers<[1], [1], [0], [0], [0, 0, 1, 0], [], []>, transpose_lhs_hint = false} : vector<256x1024xf32>, vector<2048x1024xf32>, vector<256x2048xf32> -> vector<256x2048xf32>
      %logistic3A = arith.negf %dot_general3A_16 : vector<256x2048xf32>
      %logistic3A_24 = math.exp %logistic3A : vector<256x2048xf32>
      %logistic3A_25 = arith.constant 1.000000e+00 : f32
      %logistic3A_26 = vector.broadcast %logistic3A_25 : f32 to vector<256x2048xf32>
      %logistic3A_27 = arith.addf %logistic3A_26, %logistic3A_24 : vector<256x2048xf32>
      %logistic3A_28 = arith.divf %logistic3A_26, %logistic3A_27 : vector<256x2048xf32>
      %mul3A = arith.mulf %dot_general3A_16, %logistic3A_28 : vector<256x2048xf32>
      %mul3A_29 = arith.mulf %mul3A, %dot_general3A_23 : vector<256x2048xf32>
      %get3A_30 = arith.constant 0 : index
      %get3A_31 = arith.constant 0 : index
      %get3A_32 = vector.load %arg8[%get3A_30, %get3A_31] : memref<256x1024xf32, #tpu.memory_space<vmem>>, vector<256x1024xf32>
      %get3A_33 = arith.constant 0 : index
      %get3A_34 = arith.constant 0 : index
      %get3A_35 = arith.constant 0 : index
      %get3A_36 = vector.load %arg7[%get3A_33, %get3A_34, %get3A_35] : memref<1x2048x1024xf32, #tpu.memory_space<vmem>>, vector<1x2048x1024xf32>
      %get3A_37 = vector.shape_cast %get3A_36 : vector<1x2048x1024xf32> to vector<2048x1024xf32>
      %dot_general3A_38 = arith.constant dense<0.000000e+00> : vector<256x1024xf32>
      %dot_general3A_39 = tpu.matmul %mul3A_29, %get3A_37, %dot_general3A_38 {dimension_numbers = #tpu.dot_dimension_numbers<[1], [0], [0], [1], [0, 0, 1, 1], [], []>, transpose_lhs_hint = false} : vector<256x2048xf32>, vector<2048x1024xf32>, vector<256x1024xf32> -> vector<256x1024xf32>
      %add3A = arith.addf %get3A_32, %dot_general3A_39 : vector<256x1024xf32>
      %swap3A = arith.constant 0 : index
      %swap3A_40 = arith.constant 0 : index
      %swap3A_41 = vector.load %arg8[%swap3A, %swap3A_40] : memref<256x1024xf32, #tpu.memory_space<vmem>>, vector<256x1024xf32>
      tpu.vector_store %arg8[%swap3A, %swap3A_40], %add3A {strides = array<i32>} : memref<256x1024xf32, #tpu.memory_space<vmem>>, vector<256x1024xf32>,
    } else {
    }
    return
  }
  func.func @transform_0(%arg0: i32, %arg1: i32, %arg2: memref<80xi32, #tpu.memory_space<smem>>, %arg3: memref<80xi32, #tpu.memory_space<smem>>) -> (i32, i32) {
    %get3A = arith.index_cast %arg0 : i32 to index
    %get3A_0 = memref.load %arg3[%get3A] : memref<80xi32, #tpu.memory_space<smem>>
    %mul3A = arith.muli %arg0, %get3A_0 : i32
    %c0_i32 = arith.constant 0 : i32
    %c0_i32_1 = arith.constant 0 : i32
    return %mul3A, %c0_i32 : i32, i32
  }
  func.func @transform_1(%arg0: i32, %arg1: i32, %arg2: memref<80xi32, #tpu.memory_space<smem>>, %arg3: memref<80xi32, #tpu.memory_space<smem>>) -> (i32, i32, i32) {
    %get3A = arith.index_cast %arg0 : i32 to index
    %get3A_0 = memref.load %arg2[%get3A] : memref<80xi32, #tpu.memory_space<smem>>
    %c0_i32 = arith.constant 0 : i32
    %c0_i32_1 = arith.constant 0 : i32
    return %get3A_0, %arg1, %c0_i32 : i32, i32, i32
  }
  func.func @transform_2(%arg0: i32, %arg1: i32, %arg2: memref<80xi32, #tpu.memory_space<smem>>, %arg3: memref<80xi32, #tpu.memory_space<smem>>) -> (i32, i32, i32) {
    %get3A = arith.index_cast %arg0 : i32 to index
    %get3A_0 = memref.load %arg2[%get3A] : memref<80xi32, #tpu.memory_space<smem>>
    %c0_i32 = arith.constant 0 : i32
    %c0_i32_1 = arith.constant 0 : i32
    return %get3A_0, %arg1, %c0_i32 : i32, i32, i32
  }
  func.func @transform_3(%arg0: i32, %arg1: i32, %arg2: memref<80xi32, #tpu.memory_space<smem>>, %arg3: memref<80xi32, #tpu.memory_space<smem>>) -> (i32, i32, i32) {
    %get3A = arith.index_cast %arg0 : i32 to index
    %get3A_0 = memref.load %arg2[%get3A] : memref<80xi32, #tpu.memory_space<smem>>
    %c0_i32 = arith.constant 0 : i32
    %c0_i32_1 = arith.constant 0 : i32
    return %get3A_0, %arg1, %c0_i32 : i32, i32, i32
  }
  func.func @transform_4(%arg0: i32, %arg1: i32, %arg2: memref<80xi32, #tpu.memory_space<smem>>, %arg3: memref<80xi32, #tpu.memory_space<smem>>) -> (i32, i32) {
    %c0_i32 = arith.constant 0 : i32
    %c0_i32_0 = arith.constant 0 : i32
    return %arg0, %c0_i32 : i32, i32
  }
}

module attributes {stable_mosaic.version = 14 : i64} {
  func.func @_route_rank_body(%arg0: i32, %arg1: memref<1024x1024xf32, #tpu.memory_space<vmem>>, %arg2: memref<8x1024xf32, #tpu.memory_space<vmem>>, %arg3: memref<1024x2xf32, #tpu.memory_space<vmem>>, %arg4: memref<4096x1xi32, #tpu.memory_space<vmem>>, %arg5: memref<4096x1xi32, #tpu.memory_space<vmem>>, %arg6: memref<80x1xi32, #tpu.memory_space<vmem>>, %arg7: memref<80x1xi32, #tpu.memory_space<vmem>>, %arg8: memref<8192x8xf32, #tpu.memory_space<vmem>>) attributes {dimension_semantics = [#tpu.dimension_semantics<arbitrary>], iteration_bounds = array<i64: 4>, scalar_prefetch = 0 : i64, scratch_operands = 1 : i64, tpu.core_type = #tpu.core_type<tc>, window_params = [{transform_indices = @transform_0, window_bounds = array<i64: 1024, 1024>}, {pipeline_mode = #tpu.pipeline_mode<synchronous>, transform_indices = @transform_1, window_bounds = array<i64: 8, 1024>}, {transform_indices = @transform_2, window_bounds = array<i64: 1024, 2>}, {pipeline_mode = #tpu.pipeline_mode<synchronous>, transform_indices = @transform_3, window_bounds = array<i64: 4096, 1>}, {pipeline_mode = #tpu.pipeline_mode<synchronous>, transform_indices = @transform_4, window_bounds = array<i64: 4096, 1>}, {pipeline_mode = #tpu.pipeline_mode<synchronous>, transform_indices = @transform_5, window_bounds = array<i64: 80, 1>}, {pipeline_mode = #tpu.pipeline_mode<synchronous>, transform_indices = @transform_6, window_bounds = array<i64: 80, 1>}]} {
    %get3A = arith.constant 0 : index
    %get3A_0 = arith.constant 0 : index
    %get3A_1 = vector.load %arg1[%get3A, %get3A_0] : memref<1024x1024xf32, #tpu.memory_space<vmem>>, vector<1024x1024xf32>
    %get3A_2 = arith.constant 0 : index
    %get3A_3 = arith.constant 0 : index
    %get3A_4 = vector.load %arg2[%get3A_2, %get3A_3] : memref<8x1024xf32, #tpu.memory_space<vmem>>, vector<8x1024xf32>
    %dot_general3A = arith.constant dense<0.000000e+00> : vector<1024x8xf32>
    %dot_general3A_5 = tpu.matmul %get3A_1, %get3A_4, %dot_general3A {dimension_numbers = #tpu.dot_dimension_numbers<[1], [1], [0], [0], [0, 0, 1, 0], [], []>, transpose_lhs_hint = false} : vector<1024x1024xf32>, vector<8x1024xf32>, vector<1024x8xf32> -> vector<1024x8xf32>
    %iota3A = tpu.iota {dimensions = array<i32: 1>} : vector<1x8xi32>
    %reduce_max3A = arith.constant dense<0xFF800000> : vector<1024xf32>
    %reduce_max3A_6 = vector.multi_reduction <maximumf>, %dot_general3A_5, %reduce_max3A [1] : vector<1024x8xf32> to vector<1024xf32>
    %broadcast_in_dim3A = vector.shape_cast %reduce_max3A_6 : vector<1024xf32> to vector<1024x1xf32>
    %argmax3A = tpu.reduce_index %dot_general3A_5 {axis = 1 : i32, kind = #tpu.reduction_kind<arg_max>} : vector<1024x8xf32> -> vector<1024xi32>
    %broadcast_in_dim3A_7 = vector.shape_cast %argmax3A : vector<1024xi32> to vector<1024x1xi32>
    %eq3A = vector.broadcast %iota3A : vector<1x8xi32> to vector<1024x8xi32>
    %eq3A_8 = vector.broadcast %broadcast_in_dim3A_7 : vector<1024x1xi32> to vector<1024x8xi32>
    %eq3A_9 = arith.cmpi eq, %eq3A, %eq3A_8 : vector<1024x8xi32>
    %jit3A = arith.constant 0xFF800000 : f32
    %broadcast_in_dim3A_10 = vector.broadcast %jit3A : f32 to vector<1024x8xf32>
    %select_n3A = arith.select %eq3A_9, %broadcast_in_dim3A_10, %dot_general3A_5 : vector<1024x8xi1>, vector<1024x8xf32>
    %reduce_max3A_11 = arith.constant dense<0xFF800000> : vector<1024xf32>
    %reduce_max3A_12 = vector.multi_reduction <maximumf>, %select_n3A, %reduce_max3A_11 [1] : vector<1024x8xf32> to vector<1024xf32>
    %broadcast_in_dim3A_13 = vector.shape_cast %reduce_max3A_12 : vector<1024xf32> to vector<1024x1xf32>
    %argmax3A_14 = tpu.reduce_index %select_n3A {axis = 1 : i32, kind = #tpu.reduction_kind<arg_max>} : vector<1024x8xf32> -> vector<1024xi32>
    %broadcast_in_dim3A_15 = vector.shape_cast %argmax3A_14 : vector<1024xi32> to vector<1024x1xi32>
    %sub3A = arith.subf %broadcast_in_dim3A_13, %broadcast_in_dim3A : vector<1024x1xf32>
    %exp3A = math.exp %sub3A : vector<1024x1xf32>
    %add3A = arith.constant 1.000000e+00 : f32
    %add3A_16 = vector.broadcast %add3A : f32 to vector<1024x1xf32>
    %add3A_17 = arith.addf %add3A_16, %exp3A : vector<1024x1xf32>
    %div3A = arith.constant 1.000000e+00 : f32
    %div3A_18 = vector.broadcast %div3A : f32 to vector<1024x1xf32>
    %div3A_19 = arith.divf %div3A_18, %add3A_17 : vector<1024x1xf32>
    %div3A_20 = arith.divf %exp3A, %add3A_17 : vector<1024x1xf32>
    %concatenate3A = tpu.concatenate %div3A_19, %div3A_20 in 1 : vector<1024x1xf32>, vector<1024x1xf32> -> vector<1024x2xf32>
    %swap3A = arith.constant 0 : index
    %swap3A_21 = arith.constant 0 : index
    %swap3A_22 = vector.load %arg3[%swap3A, %swap3A_21] : memref<1024x2xf32, #tpu.memory_space<vmem>>, vector<1024x2xf32>
    tpu.vector_store %arg3[%swap3A, %swap3A_21], %concatenate3A {strides = array<i32>} : memref<1024x2xf32, #tpu.memory_space<vmem>>, vector<1024x2xf32>,
    %eq3A_23 = vector.broadcast %broadcast_in_dim3A_7 : vector<1024x1xi32> to vector<1024x8xi32>
    %eq3A_24 = vector.broadcast %iota3A : vector<1x8xi32> to vector<1024x8xi32>
    %eq3A_25 = arith.cmpi eq, %eq3A_23, %eq3A_24 : vector<1024x8xi32>
    %jit3A_26 = arith.constant 1.000000e+00 : f32
    %jit3A_27 = arith.constant 0.000000e+00 : f32
    %broadcast_in_dim3A_28 = vector.broadcast %jit3A_26 : f32 to vector<1024x8xf32>
    %broadcast_in_dim3A_29 = vector.broadcast %jit3A_27 : f32 to vector<1024x8xf32>
    %select_n3A_30 = arith.select %eq3A_25, %broadcast_in_dim3A_28, %broadcast_in_dim3A_29 : vector<1024x8xi1>, vector<1024x8xf32>
    %eq3A_31 = vector.broadcast %broadcast_in_dim3A_15 : vector<1024x1xi32> to vector<1024x8xi32>
    %eq3A_32 = vector.broadcast %iota3A : vector<1x8xi32> to vector<1024x8xi32>
    %eq3A_33 = arith.cmpi eq, %eq3A_31, %eq3A_32 : vector<1024x8xi32>
    %jit3A_34 = arith.constant 1.000000e+00 : f32
    %jit3A_35 = arith.constant 0.000000e+00 : f32
    %broadcast_in_dim3A_36 = vector.broadcast %jit3A_34 : f32 to vector<1024x8xf32>
    %broadcast_in_dim3A_37 = vector.broadcast %jit3A_35 : f32 to vector<1024x8xf32>
    %select_n3A_38 = arith.select %eq3A_33, %broadcast_in_dim3A_36, %broadcast_in_dim3A_37 : vector<1024x8xi1>, vector<1024x8xf32>
    %reshape3A = vector.shape_cast %select_n3A_30 : vector<1024x8xf32> to vector<1024x1x8xf32>
    %reshape3A_39 = vector.shape_cast %select_n3A_38 : vector<1024x8xf32> to vector<1024x1x8xf32>
    %concatenate3A_40 = tpu.concatenate %reshape3A, %reshape3A_39 in 1 : vector<1024x1x8xf32>, vector<1024x1x8xf32> -> vector<1024x2x8xf32>
    %reshape3A_41 = vector.shape_cast %concatenate3A_40 : vector<1024x2x8xf32> to vector<2048x8xf32>
    %mul3A = arith.constant 2 : i32
    %mul3A_42 = arith.muli %arg0, %mul3A : i32
    %mul3A_43 = arith.constant 1024 : i32
    %mul3A_44 = arith.muli %mul3A_42, %mul3A_43 : i32
    %swap3A_45 = arith.index_cast %mul3A_44 : i32 to index
    %swap3A_46 = arith.constant 0 : index
    %swap3A_47 = vector.load %arg8[%swap3A_45, %swap3A_46] : memref<8192x8xf32, #tpu.memory_space<vmem>>, vector<2048x8xf32>
    tpu.vector_store %arg8[%swap3A_45, %swap3A_46], %reshape3A_41 {strides = array<i32>} : memref<8192x8xf32, #tpu.memory_space<vmem>>, vector<2048x8xf32>,
    %eq3A_48 = arith.constant 3 : i32
    %eq3A_49 = arith.cmpi eq, %arg0, %eq3A_48 : i32
    %convert_element_type3A = arith.extui %eq3A_49 : i1 to i32
    %cond3A = arith.constant 0 : i32
    %cond3A_50 = arith.cmpi ne, %convert_element_type3A, %cond3A : i32
    scf.if %cond3A_50 {
      %get3A_51 = arith.constant 0 : index
      %get3A_52 = arith.constant 0 : index
      %get3A_53 = vector.load %arg8[%get3A_51, %get3A_52] : memref<8192x8xf32, #tpu.memory_space<vmem>>, vector<8192x8xf32>
      %reduce_sum3A = arith.constant dense<0.000000e+00> : vector<8xf32>
      %reduce_sum3A_54 = vector.multi_reduction <add>, %get3A_53, %reduce_sum3A [0] : vector<8192x8xf32> to vector<8xf32>
      %broadcast_in_dim3A_55 = vector.shape_cast %reduce_sum3A_54 : vector<8xf32> to vector<1x8xf32>
      %add3A_56 = arith.constant 2.550000e+02 : f32
      %add3A_57 = vector.broadcast %add3A_56 : f32 to vector<1x8xf32>
      %add3A_58 = arith.addf %broadcast_in_dim3A_55, %add3A_57 : vector<1x8xf32>
      %mul3A_59 = arith.constant 3.906250e-03 : f32
      %mul3A_60 = vector.broadcast %mul3A_59 : f32 to vector<1x8xf32>
      %mul3A_61 = arith.mulf %add3A_58, %mul3A_60 : vector<1x8xf32>
      %floor3A = math.floor %mul3A_61 : vector<1x8xf32>
      %mul3A_62 = arith.constant 2.560000e+02 : f32
      %mul3A_63 = vector.broadcast %mul3A_62 : f32 to vector<1x8xf32>
      %mul3A_64 = arith.mulf %floor3A, %mul3A_63 : vector<1x8xf32>
      %iota3A_65 = tpu.iota {dimensions = array<i32: 0>} : vector<8x8xi32>
      %iota3A_66 = tpu.iota {dimensions = array<i32: 1>} : vector<8x8xi32>
      %lt3A = arith.cmpi slt, %iota3A_65, %iota3A_66 : vector<8x8xi32>
      %jit3A_67 = arith.constant 1.000000e+00 : f32
      %jit3A_68 = arith.constant 0.000000e+00 : f32
      %broadcast_in_dim3A_69 = vector.broadcast %jit3A_67 : f32 to vector<8x8xf32>
      %broadcast_in_dim3A_70 = vector.broadcast %jit3A_68 : f32 to vector<8x8xf32>
      %select_n3A_71 = arith.select %lt3A, %broadcast_in_dim3A_69, %broadcast_in_dim3A_70 : vector<8x8xi1>, vector<8x8xf32>
      %dot_general3A_72 = arith.constant dense<0.000000e+00> : vector<1x8xf32>
      %dot_general3A_73 = tpu.matmul %mul3A_64, %select_n3A_71, %dot_general3A_72 {dimension_numbers = #tpu.dot_dimension_numbers<[1], [0], [0], [1], [0, 0, 1, 1], [], []>, transpose_lhs_hint = false} : vector<1x8xf32>, vector<8x8xf32>, vector<1x8xf32> -> vector<1x8xf32>
      %reduce_sum3A_74 = vector.shape_cast %mul3A_64 : vector<1x8xf32> to vector<1x1x8xf32>
      %reduce_sum3A_75 = arith.constant dense<0.000000e+00> : vector<1xf32>
      %reduce_sum3A_76 = vector.multi_reduction <add>, %reduce_sum3A_74, %reduce_sum3A_75 [1, 2] : vector<1x1x8xf32> to vector<1xf32>
      %reduce_sum3A_77 = vector.shape_cast %reduce_sum3A_76 : vector<1xf32> to vector<1x1x1xf32>
      %reduce_sum3A_78 = vector.extract %reduce_sum3A_77[0, 0, 0] : f32 from vector<1x1x1xf32>
      %iota3A_79 = tpu.iota {dimensions = array<i32: 0>} : vector<1024x1024xi32>
      %iota3A_80 = tpu.iota {dimensions = array<i32: 1>} : vector<1024x1024xi32>
      %lt3A_81 = arith.cmpi slt, %iota3A_80, %iota3A_79 : vector<1024x1024xi32>
      %jit3A_82 = arith.constant 1.000000e+00 : f32
      %jit3A_83 = arith.constant 0.000000e+00 : f32
      %broadcast_in_dim3A_84 = vector.broadcast %jit3A_82 : f32 to vector<1024x1024xf32>
      %broadcast_in_dim3A_85 = vector.broadcast %jit3A_83 : f32 to vector<1024x1024xf32>
      %select_n3A_86 = arith.select %lt3A_81, %broadcast_in_dim3A_84, %broadcast_in_dim3A_85 : vector<1024x1024xi1>, vector<1024x1024xf32>
      %broadcast_in_dim3A_87 = arith.constant 0.000000e+00 : f32
      %broadcast_in_dim3A_88 = vector.broadcast %broadcast_in_dim3A_87 : f32 to vector<1x8xf32>
      %slice3A = vector.extract_strided_slice %get3A_53 {offsets = [0, 0], sizes = [1024, 8], strides = [1, 1]} : vector<8192x8xf32> to vector<1024x8xf32>
      %dot_general3A_89 = arith.constant dense<0.000000e+00> : vector<1024x8xf32>
      %dot_general3A_90 = tpu.matmul %select_n3A_86, %slice3A, %dot_general3A_89 {dimension_numbers = #tpu.dot_dimension_numbers<[1], [0], [0], [1], [0, 0, 1, 1], [], []>, transpose_lhs_hint = false} : vector<1024x1024xf32>, vector<1024x8xf32>, vector<1024x8xf32> -> vector<1024x8xf32>
      %add3A_91 = arith.addf %dot_general3A_73, %broadcast_in_dim3A_88 : vector<1x8xf32>
      %mul3A_92 = vector.broadcast %add3A_91 : vector<1x8xf32> to vector<1024x8xf32>
      %mul3A_93 = arith.mulf %slice3A, %mul3A_92 : vector<1024x8xf32>
      %reduce_sum3A_94 = arith.constant dense<0.000000e+00> : vector<1024xf32>
      %reduce_sum3A_95 = vector.multi_reduction <add>, %mul3A_93, %reduce_sum3A_94 [1] : vector<1024x8xf32> to vector<1024xf32>
      %broadcast_in_dim3A_96 = vector.shape_cast %reduce_sum3A_95 : vector<1024xf32> to vector<1024x1xf32>
      %mul3A_97 = arith.mulf %dot_general3A_90, %slice3A : vector<1024x8xf32>
      %reduce_sum3A_98 = arith.constant dense<0.000000e+00> : vector<1024xf32>
      %reduce_sum3A_99 = vector.multi_reduction <add>, %mul3A_97, %reduce_sum3A_98 [1] : vector<1024x8xf32> to vector<1024xf32>
      %broadcast_in_dim3A_100 = vector.shape_cast %reduce_sum3A_99 : vector<1024xf32> to vector<1024x1xf32>
      %add3A_101 = arith.addf %broadcast_in_dim3A_96, %broadcast_in_dim3A_100 : vector<1024x1xf32>
      %convert_element_type3A_102 = arith.fptosi %add3A_101 : vector<1024x1xf32> to vector<1024x1xi32>
      %reshape3A_103 = vector.shape_cast %convert_element_type3A_102 : vector<1024x1xi32> to vector<512x2xi32>
      %slice3A_104 = vector.extract_strided_slice %reshape3A_103 {offsets = [0, 0], sizes = [512, 1], strides = [1, 1]} : vector<512x2xi32> to vector<512x1xi32>
      %swap3A_105 = arith.constant 0 : index
      %swap3A_106 = arith.constant 0 : index
      %swap3A_107 = vector.load %arg4[%swap3A_105, %swap3A_106] : memref<4096x1xi32, #tpu.memory_space<vmem>>, vector<512x1xi32>
      tpu.vector_store %arg4[%swap3A_105, %swap3A_106], %slice3A_104 {strides = array<i32>} : memref<4096x1xi32, #tpu.memory_space<vmem>>, vector<512x1xi32>,
      %slice3A_108 = vector.extract_strided_slice %reshape3A_103 {offsets = [0, 1], sizes = [512, 1], strides = [1, 1]} : vector<512x2xi32> to vector<512x1xi32>
      %swap3A_109 = arith.constant 0 : index
      %swap3A_110 = arith.constant 0 : index
      %swap3A_111 = vector.load %arg5[%swap3A_109, %swap3A_110] : memref<4096x1xi32, #tpu.memory_space<vmem>>, vector<512x1xi32>
      tpu.vector_store %arg5[%swap3A_109, %swap3A_110], %slice3A_108 {strides = array<i32>} : memref<4096x1xi32, #tpu.memory_space<vmem>>, vector<512x1xi32>,
      %reduce_sum3A_112 = arith.constant dense<0.000000e+00> : vector<8xf32>
      %reduce_sum3A_113 = vector.multi_reduction <add>, %slice3A, %reduce_sum3A_112 [0] : vector<1024x8xf32> to vector<8xf32>
      %broadcast_in_dim3A_114 = vector.shape_cast %reduce_sum3A_113 : vector<8xf32> to vector<1x8xf32>
      %add3A_115 = arith.addf %broadcast_in_dim3A_88, %broadcast_in_dim3A_114 : vector<1x8xf32>
      %slice3A_116 = vector.extract_strided_slice %get3A_53 {offsets = [1024, 0], sizes = [1024, 8], strides = [1, 1]} : vector<8192x8xf32> to vector<1024x8xf32>
      %dot_general3A_117 = arith.constant dense<0.000000e+00> : vector<1024x8xf32>
      %dot_general3A_118 = tpu.matmul %select_n3A_86, %slice3A_116, %dot_general3A_117 {dimension_numbers = #tpu.dot_dimension_numbers<[1], [0], [0], [1], [0, 0, 1, 1], [], []>, transpose_lhs_hint = false} : vector<1024x1024xf32>, vector<1024x8xf32>, vector<1024x8xf32> -> vector<1024x8xf32>
      %add3A_119 = arith.addf %dot_general3A_73, %add3A_115 : vector<1x8xf32>
      %mul3A_120 = vector.broadcast %add3A_119 : vector<1x8xf32> to vector<1024x8xf32>
      %mul3A_121 = arith.mulf %slice3A_116, %mul3A_120 : vector<1024x8xf32>
      %reduce_sum3A_122 = arith.constant dense<0.000000e+00> : vector<1024xf32>
      %reduce_sum3A_123 = vector.multi_reduction <add>, %mul3A_121, %reduce_sum3A_122 [1] : vector<1024x8xf32> to vector<1024xf32>
      %broadcast_in_dim3A_124 = vector.shape_cast %reduce_sum3A_123 : vector<1024xf32> to vector<1024x1xf32>
      %mul3A_125 = arith.mulf %dot_general3A_118, %slice3A_116 : vector<1024x8xf32>
      %reduce_sum3A_126 = arith.constant dense<0.000000e+00> : vector<1024xf32>
      %reduce_sum3A_127 = vector.multi_reduction <add>, %mul3A_125, %reduce_sum3A_126 [1] : vector<1024x8xf32> to vector<1024xf32>
      %broadcast_in_dim3A_128 = vector.shape_cast %reduce_sum3A_127 : vector<1024xf32> to vector<1024x1xf32>
      %add3A_129 = arith.addf %broadcast_in_dim3A_124, %broadcast_in_dim3A_128 : vector<1024x1xf32>
      %convert_element_type3A_130 = arith.fptosi %add3A_129 : vector<1024x1xf32> to vector<1024x1xi32>
      %reshape3A_131 = vector.shape_cast %convert_element_type3A_130 : vector<1024x1xi32> to vector<512x2xi32>
      %slice3A_132 = vector.extract_strided_slice %reshape3A_131 {offsets = [0, 0], sizes = [512, 1], strides = [1, 1]} : vector<512x2xi32> to vector<512x1xi32>
      %swap3A_133 = arith.constant 512 : index
      %swap3A_134 = arith.constant 0 : index
      %swap3A_135 = vector.load %arg4[%swap3A_133, %swap3A_134] : memref<4096x1xi32, #tpu.memory_space<vmem>>, vector<512x1xi32>
      tpu.vector_store %arg4[%swap3A_133, %swap3A_134], %slice3A_132 {strides = array<i32>} : memref<4096x1xi32, #tpu.memory_space<vmem>>, vector<512x1xi32>,
      %slice3A_136 = vector.extract_strided_slice %reshape3A_131 {offsets = [0, 1], sizes = [512, 1], strides = [1, 1]} : vector<512x2xi32> to vector<512x1xi32>
      %swap3A_137 = arith.constant 512 : index
      %swap3A_138 = arith.constant 0 : index
      %swap3A_139 = vector.load %arg5[%swap3A_137, %swap3A_138] : memref<4096x1xi32, #tpu.memory_space<vmem>>, vector<512x1xi32>
      tpu.vector_store %arg5[%swap3A_137, %swap3A_138], %slice3A_136 {strides = array<i32>} : memref<4096x1xi32, #tpu.memory_space<vmem>>, vector<512x1xi32>,
      %reduce_sum3A_140 = arith.constant dense<0.000000e+00> : vector<8xf32>
      %reduce_sum3A_141 = vector.multi_reduction <add>, %slice3A_116, %reduce_sum3A_140 [0] : vector<1024x8xf32> to vector<8xf32>
      %broadcast_in_dim3A_142 = vector.shape_cast %reduce_sum3A_141 : vector<8xf32> to vector<1x8xf32>
      %add3A_143 = arith.addf %add3A_115, %broadcast_in_dim3A_142 : vector<1x8xf32>
      %slice3A_144 = vector.extract_strided_slice %get3A_53 {offsets = [2048, 0], sizes = [1024, 8], strides = [1, 1]} : vector<8192x8xf32> to vector<1024x8xf32>
      %dot_general3A_145 = arith.constant dense<0.000000e+00> : vector<1024x8xf32>
      %dot_general3A_146 = tpu.matmul %select_n3A_86, %slice3A_144, %dot_general3A_145 {dimension_numbers = #tpu.dot_dimension_numbers<[1], [0], [0], [1], [0, 0, 1, 1], [], []>, transpose_lhs_hint = false} : vector<1024x1024xf32>, vector<1024x8xf32>, vector<1024x8xf32> -> vector<1024x8xf32>
      %add3A_147 = arith.addf %dot_general3A_73, %add3A_143 : vector<1x8xf32>
      %mul3A_148 = vector.broadcast %add3A_147 : vector<1x8xf32> to vector<1024x8xf32>
      %mul3A_149 = arith.mulf %slice3A_144, %mul3A_148 : vector<1024x8xf32>
      %reduce_sum3A_150 = arith.constant dense<0.000000e+00> : vector<1024xf32>
      %reduce_sum3A_151 = vector.multi_reduction <add>, %mul3A_149, %reduce_sum3A_150 [1] : vector<1024x8xf32> to vector<1024xf32>
      %broadcast_in_dim3A_152 = vector.shape_cast %reduce_sum3A_151 : vector<1024xf32> to vector<1024x1xf32>
      %mul3A_153 = arith.mulf %dot_general3A_146, %slice3A_144 : vector<1024x8xf32>
      %reduce_sum3A_154 = arith.constant dense<0.000000e+00> : vector<1024xf32>
      %reduce_sum3A_155 = vector.multi_reduction <add>, %mul3A_153, %reduce_sum3A_154 [1] : vector<1024x8xf32> to vector<1024xf32>
      %broadcast_in_dim3A_156 = vector.shape_cast %reduce_sum3A_155 : vector<1024xf32> to vector<1024x1xf32>
      %add3A_157 = arith.addf %broadcast_in_dim3A_152, %broadcast_in_dim3A_156 : vector<1024x1xf32>
      %convert_element_type3A_158 = arith.fptosi %add3A_157 : vector<1024x1xf32> to vector<1024x1xi32>
      %reshape3A_159 = vector.shape_cast %convert_element_type3A_158 : vector<1024x1xi32> to vector<512x2xi32>
      %slice3A_160 = vector.extract_strided_slice %reshape3A_159 {offsets = [0, 0], sizes = [512, 1], strides = [1, 1]} : vector<512x2xi32> to vector<512x1xi32>
      %swap3A_161 = arith.constant 1024 : index
      %swap3A_162 = arith.constant 0 : index
      %swap3A_163 = vector.load %arg4[%swap3A_161, %swap3A_162] : memref<4096x1xi32, #tpu.memory_space<vmem>>, vector<512x1xi32>
      tpu.vector_store %arg4[%swap3A_161, %swap3A_162], %slice3A_160 {strides = array<i32>} : memref<4096x1xi32, #tpu.memory_space<vmem>>, vector<512x1xi32>,
      %slice3A_164 = vector.extract_strided_slice %reshape3A_159 {offsets = [0, 1], sizes = [512, 1], strides = [1, 1]} : vector<512x2xi32> to vector<512x1xi32>
      %swap3A_165 = arith.constant 1024 : index
      %swap3A_166 = arith.constant 0 : index
      %swap3A_167 = vector.load %arg5[%swap3A_165, %swap3A_166] : memref<4096x1xi32, #tpu.memory_space<vmem>>, vector<512x1xi32>
      tpu.vector_store %arg5[%swap3A_165, %swap3A_166], %slice3A_164 {strides = array<i32>} : memref<4096x1xi32, #tpu.memory_space<vmem>>, vector<512x1xi32>,
      %reduce_sum3A_168 = arith.constant dense<0.000000e+00> : vector<8xf32>
      %reduce_sum3A_169 = vector.multi_reduction <add>, %slice3A_144, %reduce_sum3A_168 [0] : vector<1024x8xf32> to vector<8xf32>
      %broadcast_in_dim3A_170 = vector.shape_cast %reduce_sum3A_169 : vector<8xf32> to vector<1x8xf32>
      %add3A_171 = arith.addf %add3A_143, %broadcast_in_dim3A_170 : vector<1x8xf32>
      %slice3A_172 = vector.extract_strided_slice %get3A_53 {offsets = [3072, 0], sizes = [1024, 8], strides = [1, 1]} : vector<8192x8xf32> to vector<1024x8xf32>
      %dot_general3A_173 = arith.constant dense<0.000000e+00> : vector<1024x8xf32>
      %dot_general3A_174 = tpu.matmul %select_n3A_86, %slice3A_172, %dot_general3A_173 {dimension_numbers = #tpu.dot_dimension_numbers<[1], [0], [0], [1], [0, 0, 1, 1], [], []>, transpose_lhs_hint = false} : vector<1024x1024xf32>, vector<1024x8xf32>, vector<1024x8xf32> -> vector<1024x8xf32>
      %add3A_175 = arith.addf %dot_general3A_73, %add3A_171 : vector<1x8xf32>
      %mul3A_176 = vector.broadcast %add3A_175 : vector<1x8xf32> to vector<1024x8xf32>
      %mul3A_177 = arith.mulf %slice3A_172, %mul3A_176 : vector<1024x8xf32>
      %reduce_sum3A_178 = arith.constant dense<0.000000e+00> : vector<1024xf32>
      %reduce_sum3A_179 = vector.multi_reduction <add>, %mul3A_177, %reduce_sum3A_178 [1] : vector<1024x8xf32> to vector<1024xf32>
      %broadcast_in_dim3A_180 = vector.shape_cast %reduce_sum3A_179 : vector<1024xf32> to vector<1024x1xf32>
      %mul3A_181 = arith.mulf %dot_general3A_174, %slice3A_172 : vector<1024x8xf32>
      %reduce_sum3A_182 = arith.constant dense<0.000000e+00> : vector<1024xf32>
      %reduce_sum3A_183 = vector.multi_reduction <add>, %mul3A_181, %reduce_sum3A_182 [1] : vector<1024x8xf32> to vector<1024xf32>
      %broadcast_in_dim3A_184 = vector.shape_cast %reduce_sum3A_183 : vector<1024xf32> to vector<1024x1xf32>
      %add3A_185 = arith.addf %broadcast_in_dim3A_180, %broadcast_in_dim3A_184 : vector<1024x1xf32>
      %convert_element_type3A_186 = arith.fptosi %add3A_185 : vector<1024x1xf32> to vector<1024x1xi32>
      %reshape3A_187 = vector.shape_cast %convert_element_type3A_186 : vector<1024x1xi32> to vector<512x2xi32>
      %slice3A_188 = vector.extract_strided_slice %reshape3A_187 {offsets = [0, 0], sizes = [512, 1], strides = [1, 1]} : vector<512x2xi32> to vector<512x1xi32>
      %swap3A_189 = arith.constant 1536 : index
      %swap3A_190 = arith.constant 0 : index
      %swap3A_191 = vector.load %arg4[%swap3A_189, %swap3A_190] : memref<4096x1xi32, #tpu.memory_space<vmem>>, vector<512x1xi32>
      tpu.vector_store %arg4[%swap3A_189, %swap3A_190], %slice3A_188 {strides = array<i32>} : memref<4096x1xi32, #tpu.memory_space<vmem>>, vector<512x1xi32>,
      %slice3A_192 = vector.extract_strided_slice %reshape3A_187 {offsets = [0, 1], sizes = [512, 1], strides = [1, 1]} : vector<512x2xi32> to vector<512x1xi32>
      %swap3A_193 = arith.constant 1536 : index
      %swap3A_194 = arith.constant 0 : index
      %swap3A_195 = vector.load %arg5[%swap3A_193, %swap3A_194] : memref<4096x1xi32, #tpu.memory_space<vmem>>, vector<512x1xi32>
      tpu.vector_store %arg5[%swap3A_193, %swap3A_194], %slice3A_192 {strides = array<i32>} : memref<4096x1xi32, #tpu.memory_space<vmem>>, vector<512x1xi32>,
      %reduce_sum3A_196 = arith.constant dense<0.000000e+00> : vector<8xf32>
      %reduce_sum3A_197 = vector.multi_reduction <add>, %slice3A_172, %reduce_sum3A_196 [0] : vector<1024x8xf32> to vector<8xf32>
      %broadcast_in_dim3A_198 = vector.shape_cast %reduce_sum3A_197 : vector<8xf32> to vector<1x8xf32>
      %add3A_199 = arith.addf %add3A_171, %broadcast_in_dim3A_198 : vector<1x8xf32>
      %slice3A_200 = vector.extract_strided_slice %get3A_53 {offsets = [4096, 0], sizes = [1024, 8], strides = [1, 1]} : vector<8192x8xf32> to vector<1024x8xf32>
      %dot_general3A_201 = arith.constant dense<0.000000e+00> : vector<1024x8xf32>
      %dot_general3A_202 = tpu.matmul %select_n3A_86, %slice3A_200, %dot_general3A_201 {dimension_numbers = #tpu.dot_dimension_numbers<[1], [0], [0], [1], [0, 0, 1, 1], [], []>, transpose_lhs_hint = false} : vector<1024x1024xf32>, vector<1024x8xf32>, vector<1024x8xf32> -> vector<1024x8xf32>
      %add3A_203 = arith.addf %dot_general3A_73, %add3A_199 : vector<1x8xf32>
      %mul3A_204 = vector.broadcast %add3A_203 : vector<1x8xf32> to vector<1024x8xf32>
      %mul3A_205 = arith.mulf %slice3A_200, %mul3A_204 : vector<1024x8xf32>
      %reduce_sum3A_206 = arith.constant dense<0.000000e+00> : vector<1024xf32>
      %reduce_sum3A_207 = vector.multi_reduction <add>, %mul3A_205, %reduce_sum3A_206 [1] : vector<1024x8xf32> to vector<1024xf32>
      %broadcast_in_dim3A_208 = vector.shape_cast %reduce_sum3A_207 : vector<1024xf32> to vector<1024x1xf32>
      %mul3A_209 = arith.mulf %dot_general3A_202, %slice3A_200 : vector<1024x8xf32>
      %reduce_sum3A_210 = arith.constant dense<0.000000e+00> : vector<1024xf32>
      %reduce_sum3A_211 = vector.multi_reduction <add>, %mul3A_209, %reduce_sum3A_210 [1] : vector<1024x8xf32> to vector<1024xf32>
      %broadcast_in_dim3A_212 = vector.shape_cast %reduce_sum3A_211 : vector<1024xf32> to vector<1024x1xf32>
      %add3A_213 = arith.addf %broadcast_in_dim3A_208, %broadcast_in_dim3A_212 : vector<1024x1xf32>
      %convert_element_type3A_214 = arith.fptosi %add3A_213 : vector<1024x1xf32> to vector<1024x1xi32>
      %reshape3A_215 = vector.shape_cast %convert_element_type3A_214 : vector<1024x1xi32> to vector<512x2xi32>
      %slice3A_216 = vector.extract_strided_slice %reshape3A_215 {offsets = [0, 0], sizes = [512, 1], strides = [1, 1]} : vector<512x2xi32> to vector<512x1xi32>
      %swap3A_217 = arith.constant 2048 : index
      %swap3A_218 = arith.constant 0 : index
      %swap3A_219 = vector.load %arg4[%swap3A_217, %swap3A_218] : memref<4096x1xi32, #tpu.memory_space<vmem>>, vector<512x1xi32>
      tpu.vector_store %arg4[%swap3A_217, %swap3A_218], %slice3A_216 {strides = array<i32>} : memref<4096x1xi32, #tpu.memory_space<vmem>>, vector<512x1xi32>,
      %slice3A_220 = vector.extract_strided_slice %reshape3A_215 {offsets = [0, 1], sizes = [512, 1], strides = [1, 1]} : vector<512x2xi32> to vector<512x1xi32>
      %swap3A_221 = arith.constant 2048 : index
      %swap3A_222 = arith.constant 0 : index
      %swap3A_223 = vector.load %arg5[%swap3A_221, %swap3A_222] : memref<4096x1xi32, #tpu.memory_space<vmem>>, vector<512x1xi32>
      tpu.vector_store %arg5[%swap3A_221, %swap3A_222], %slice3A_220 {strides = array<i32>} : memref<4096x1xi32, #tpu.memory_space<vmem>>, vector<512x1xi32>,
      %reduce_sum3A_224 = arith.constant dense<0.000000e+00> : vector<8xf32>
      %reduce_sum3A_225 = vector.multi_reduction <add>, %slice3A_200, %reduce_sum3A_224 [0] : vector<1024x8xf32> to vector<8xf32>
      %broadcast_in_dim3A_226 = vector.shape_cast %reduce_sum3A_225 : vector<8xf32> to vector<1x8xf32>
      %add3A_227 = arith.addf %add3A_199, %broadcast_in_dim3A_226 : vector<1x8xf32>
      %slice3A_228 = vector.extract_strided_slice %get3A_53 {offsets = [5120, 0], sizes = [1024, 8], strides = [1, 1]} : vector<8192x8xf32> to vector<1024x8xf32>
      %dot_general3A_229 = arith.constant dense<0.000000e+00> : vector<1024x8xf32>
      %dot_general3A_230 = tpu.matmul %select_n3A_86, %slice3A_228, %dot_general3A_229 {dimension_numbers = #tpu.dot_dimension_numbers<[1], [0], [0], [1], [0, 0, 1, 1], [], []>, transpose_lhs_hint = false} : vector<1024x1024xf32>, vector<1024x8xf32>, vector<1024x8xf32> -> vector<1024x8xf32>
      %add3A_231 = arith.addf %dot_general3A_73, %add3A_227 : vector<1x8xf32>
      %mul3A_232 = vector.broadcast %add3A_231 : vector<1x8xf32> to vector<1024x8xf32>
      %mul3A_233 = arith.mulf %slice3A_228, %mul3A_232 : vector<1024x8xf32>
      %reduce_sum3A_234 = arith.constant dense<0.000000e+00> : vector<1024xf32>
      %reduce_sum3A_235 = vector.multi_reduction <add>, %mul3A_233, %reduce_sum3A_234 [1] : vector<1024x8xf32> to vector<1024xf32>
      %broadcast_in_dim3A_236 = vector.shape_cast %reduce_sum3A_235 : vector<1024xf32> to vector<1024x1xf32>
      %mul3A_237 = arith.mulf %dot_general3A_230, %slice3A_228 : vector<1024x8xf32>
      %reduce_sum3A_238 = arith.constant dense<0.000000e+00> : vector<1024xf32>
      %reduce_sum3A_239 = vector.multi_reduction <add>, %mul3A_237, %reduce_sum3A_238 [1] : vector<1024x8xf32> to vector<1024xf32>
      %broadcast_in_dim3A_240 = vector.shape_cast %reduce_sum3A_239 : vector<1024xf32> to vector<1024x1xf32>
      %add3A_241 = arith.addf %broadcast_in_dim3A_236, %broadcast_in_dim3A_240 : vector<1024x1xf32>
      %convert_element_type3A_242 = arith.fptosi %add3A_241 : vector<1024x1xf32> to vector<1024x1xi32>
      %reshape3A_243 = vector.shape_cast %convert_element_type3A_242 : vector<1024x1xi32> to vector<512x2xi32>
      %slice3A_244 = vector.extract_strided_slice %reshape3A_243 {offsets = [0, 0], sizes = [512, 1], strides = [1, 1]} : vector<512x2xi32> to vector<512x1xi32>
      %swap3A_245 = arith.constant 2560 : index
      %swap3A_246 = arith.constant 0 : index
      %swap3A_247 = vector.load %arg4[%swap3A_245, %swap3A_246] : memref<4096x1xi32, #tpu.memory_space<vmem>>, vector<512x1xi32>
      tpu.vector_store %arg4[%swap3A_245, %swap3A_246], %slice3A_244 {strides = array<i32>} : memref<4096x1xi32, #tpu.memory_space<vmem>>, vector<512x1xi32>,
      %slice3A_248 = vector.extract_strided_slice %reshape3A_243 {offsets = [0, 1], sizes = [512, 1], strides = [1, 1]} : vector<512x2xi32> to vector<512x1xi32>
      %swap3A_249 = arith.constant 2560 : index
      %swap3A_250 = arith.constant 0 : index
      %swap3A_251 = vector.load %arg5[%swap3A_249, %swap3A_250] : memref<4096x1xi32, #tpu.memory_space<vmem>>, vector<512x1xi32>
      tpu.vector_store %arg5[%swap3A_249, %swap3A_250], %slice3A_248 {strides = array<i32>} : memref<4096x1xi32, #tpu.memory_space<vmem>>, vector<512x1xi32>,
      %reduce_sum3A_252 = arith.constant dense<0.000000e+00> : vector<8xf32>
      %reduce_sum3A_253 = vector.multi_reduction <add>, %slice3A_228, %reduce_sum3A_252 [0] : vector<1024x8xf32> to vector<8xf32>
      %broadcast_in_dim3A_254 = vector.shape_cast %reduce_sum3A_253 : vector<8xf32> to vector<1x8xf32>
      %add3A_255 = arith.addf %add3A_227, %broadcast_in_dim3A_254 : vector<1x8xf32>
      %slice3A_256 = vector.extract_strided_slice %get3A_53 {offsets = [6144, 0], sizes = [1024, 8], strides = [1, 1]} : vector<8192x8xf32> to vector<1024x8xf32>
      %dot_general3A_257 = arith.constant dense<0.000000e+00> : vector<1024x8xf32>
      %dot_general3A_258 = tpu.matmul %select_n3A_86, %slice3A_256, %dot_general3A_257 {dimension_numbers = #tpu.dot_dimension_numbers<[1], [0], [0], [1], [0, 0, 1, 1], [], []>, transpose_lhs_hint = false} : vector<1024x1024xf32>, vector<1024x8xf32>, vector<1024x8xf32> -> vector<1024x8xf32>
      %add3A_259 = arith.addf %dot_general3A_73, %add3A_255 : vector<1x8xf32>
      %mul3A_260 = vector.broadcast %add3A_259 : vector<1x8xf32> to vector<1024x8xf32>
      %mul3A_261 = arith.mulf %slice3A_256, %mul3A_260 : vector<1024x8xf32>
      %reduce_sum3A_262 = arith.constant dense<0.000000e+00> : vector<1024xf32>
      %reduce_sum3A_263 = vector.multi_reduction <add>, %mul3A_261, %reduce_sum3A_262 [1] : vector<1024x8xf32> to vector<1024xf32>
      %broadcast_in_dim3A_264 = vector.shape_cast %reduce_sum3A_263 : vector<1024xf32> to vector<1024x1xf32>
      %mul3A_265 = arith.mulf %dot_general3A_258, %slice3A_256 : vector<1024x8xf32>
      %reduce_sum3A_266 = arith.constant dense<0.000000e+00> : vector<1024xf32>
      %reduce_sum3A_267 = vector.multi_reduction <add>, %mul3A_265, %reduce_sum3A_266 [1] : vector<1024x8xf32> to vector<1024xf32>
      %broadcast_in_dim3A_268 = vector.shape_cast %reduce_sum3A_267 : vector<1024xf32> to vector<1024x1xf32>
      %add3A_269 = arith.addf %broadcast_in_dim3A_264, %broadcast_in_dim3A_268 : vector<1024x1xf32>
      %convert_element_type3A_270 = arith.fptosi %add3A_269 : vector<1024x1xf32> to vector<1024x1xi32>
      %reshape3A_271 = vector.shape_cast %convert_element_type3A_270 : vector<1024x1xi32> to vector<512x2xi32>
      %slice3A_272 = vector.extract_strided_slice %reshape3A_271 {offsets = [0, 0], sizes = [512, 1], strides = [1, 1]} : vector<512x2xi32> to vector<512x1xi32>
      %swap3A_273 = arith.constant 3072 : index
      %swap3A_274 = arith.constant 0 : index
      %swap3A_275 = vector.load %arg4[%swap3A_273, %swap3A_274] : memref<4096x1xi32, #tpu.memory_space<vmem>>, vector<512x1xi32>
      tpu.vector_store %arg4[%swap3A_273, %swap3A_274], %slice3A_272 {strides = array<i32>} : memref<4096x1xi32, #tpu.memory_space<vmem>>, vector<512x1xi32>,
      %slice3A_276 = vector.extract_strided_slice %reshape3A_271 {offsets = [0, 1], sizes = [512, 1], strides = [1, 1]} : vector<512x2xi32> to vector<512x1xi32>
      %swap3A_277 = arith.constant 3072 : index
      %swap3A_278 = arith.constant 0 : index
      %swap3A_279 = vector.load %arg5[%swap3A_277, %swap3A_278] : memref<4096x1xi32, #tpu.memory_space<vmem>>, vector<512x1xi32>
      tpu.vector_store %arg5[%swap3A_277, %swap3A_278], %slice3A_276 {strides = array<i32>} : memref<4096x1xi32, #tpu.memory_space<vmem>>, vector<512x1xi32>,
      %reduce_sum3A_280 = arith.constant dense<0.000000e+00> : vector<8xf32>
      %reduce_sum3A_281 = vector.multi_reduction <add>, %slice3A_256, %reduce_sum3A_280 [0] : vector<1024x8xf32> to vector<8xf32>
      %broadcast_in_dim3A_282 = vector.shape_cast %reduce_sum3A_281 : vector<8xf32> to vector<1x8xf32>
      %add3A_283 = arith.addf %add3A_255, %broadcast_in_dim3A_282 : vector<1x8xf32>
      %slice3A_284 = vector.extract_strided_slice %get3A_53 {offsets = [7168, 0], sizes = [1024, 8], strides = [1, 1]} : vector<8192x8xf32> to vector<1024x8xf32>
      %dot_general3A_285 = arith.constant dense<0.000000e+00> : vector<1024x8xf32>
      %dot_general3A_286 = tpu.matmul %select_n3A_86, %slice3A_284, %dot_general3A_285 {dimension_numbers = #tpu.dot_dimension_numbers<[1], [0], [0], [1], [0, 0, 1, 1], [], []>, transpose_lhs_hint = false} : vector<1024x1024xf32>, vector<1024x8xf32>, vector<1024x8xf32> -> vector<1024x8xf32>
      %add3A_287 = arith.addf %dot_general3A_73, %add3A_283 : vector<1x8xf32>
      %mul3A_288 = vector.broadcast %add3A_287 : vector<1x8xf32> to vector<1024x8xf32>
      %mul3A_289 = arith.mulf %slice3A_284, %mul3A_288 : vector<1024x8xf32>
      %reduce_sum3A_290 = arith.constant dense<0.000000e+00> : vector<1024xf32>
      %reduce_sum3A_291 = vector.multi_reduction <add>, %mul3A_289, %reduce_sum3A_290 [1] : vector<1024x8xf32> to vector<1024xf32>
      %broadcast_in_dim3A_292 = vector.shape_cast %reduce_sum3A_291 : vector<1024xf32> to vector<1024x1xf32>
      %mul3A_293 = arith.mulf %dot_general3A_286, %slice3A_284 : vector<1024x8xf32>
      %reduce_sum3A_294 = arith.constant dense<0.000000e+00> : vector<1024xf32>
      %reduce_sum3A_295 = vector.multi_reduction <add>, %mul3A_293, %reduce_sum3A_294 [1] : vector<1024x8xf32> to vector<1024xf32>
      %broadcast_in_dim3A_296 = vector.shape_cast %reduce_sum3A_295 : vector<1024xf32> to vector<1024x1xf32>
      %add3A_297 = arith.addf %broadcast_in_dim3A_292, %broadcast_in_dim3A_296 : vector<1024x1xf32>
      %convert_element_type3A_298 = arith.fptosi %add3A_297 : vector<1024x1xf32> to vector<1024x1xi32>
      %reshape3A_299 = vector.shape_cast %convert_element_type3A_298 : vector<1024x1xi32> to vector<512x2xi32>
      %slice3A_300 = vector.extract_strided_slice %reshape3A_299 {offsets = [0, 0], sizes = [512, 1], strides = [1, 1]} : vector<512x2xi32> to vector<512x1xi32>
      %swap3A_301 = arith.constant 3584 : index
      %swap3A_302 = arith.constant 0 : index
      %swap3A_303 = vector.load %arg4[%swap3A_301, %swap3A_302] : memref<4096x1xi32, #tpu.memory_space<vmem>>, vector<512x1xi32>
      tpu.vector_store %arg4[%swap3A_301, %swap3A_302], %slice3A_300 {strides = array<i32>} : memref<4096x1xi32, #tpu.memory_space<vmem>>, vector<512x1xi32>,
      %slice3A_304 = vector.extract_strided_slice %reshape3A_299 {offsets = [0, 1], sizes = [512, 1], strides = [1, 1]} : vector<512x2xi32> to vector<512x1xi32>
      %swap3A_305 = arith.constant 3584 : index
      %swap3A_306 = arith.constant 0 : index
      %swap3A_307 = vector.load %arg5[%swap3A_305, %swap3A_306] : memref<4096x1xi32, #tpu.memory_space<vmem>>, vector<512x1xi32>
      tpu.vector_store %arg5[%swap3A_305, %swap3A_306], %slice3A_304 {strides = array<i32>} : memref<4096x1xi32, #tpu.memory_space<vmem>>, vector<512x1xi32>,
      %iota3A_308 = tpu.iota {dimensions = array<i32: 0>} : vector<80x8xi32>
      %mul3A_309 = arith.constant 256 : i32
      %mul3A_310 = vector.broadcast %mul3A_309 : i32 to vector<80x8xi32>
      %mul3A_311 = arith.muli %iota3A_308, %mul3A_310 : vector<80x8xi32>
      %convert_element_type3A_312 = arith.sitofp %mul3A_311 : vector<80x8xi32> to vector<80x8xf32>
      %ge3A = vector.broadcast %dot_general3A_73 : vector<1x8xf32> to vector<80x8xf32>
      %ge3A_313 = arith.cmpf oge, %convert_element_type3A_312, %ge3A : vector<80x8xf32>
      %jit3A_314 = arith.constant 1.000000e+00 : f32
      %jit3A_315 = arith.constant 0.000000e+00 : f32
      %broadcast_in_dim3A_316 = vector.broadcast %jit3A_314 : f32 to vector<80x8xf32>
      %broadcast_in_dim3A_317 = vector.broadcast %jit3A_315 : f32 to vector<80x8xf32>
      %select_n3A_318 = arith.select %ge3A_313, %broadcast_in_dim3A_316, %broadcast_in_dim3A_317 : vector<80x8xi1>, vector<80x8xf32>
      %reduce_sum3A_319 = arith.constant dense<0.000000e+00> : vector<80xf32>
      %reduce_sum3A_320 = vector.multi_reduction <add>, %select_n3A_318, %reduce_sum3A_319 [1] : vector<80x8xf32> to vector<80xf32>
      %broadcast_in_dim3A_321 = vector.shape_cast %reduce_sum3A_320 : vector<80xf32> to vector<80x1xf32>
      %sub3A_322 = arith.constant 1.000000e+00 : f32
      %sub3A_323 = vector.broadcast %sub3A_322 : f32 to vector<80x1xf32>
      %sub3A_324 = arith.subf %broadcast_in_dim3A_321, %sub3A_323 : vector<80x1xf32>
      %convert_element_type3A_325 = arith.fptosi %sub3A_324 : vector<80x1xf32> to vector<80x1xi32>
      %swap3A_326 = arith.constant 0 : index
      %swap3A_327 = arith.constant 0 : index
      %swap3A_328 = vector.load %arg6[%swap3A_326, %swap3A_327] : memref<80x1xi32, #tpu.memory_space<vmem>>, vector<80x1xi32>
      tpu.vector_store %arg6[%swap3A_326, %swap3A_327], %convert_element_type3A_325 {strides = array<i32>} : memref<80x1xi32, #tpu.memory_space<vmem>>, vector<80x1xi32>,
      %slice3A_329 = vector.extract_strided_slice %iota3A_308 {offsets = [0, 0], sizes = [80, 1], strides = [1, 1]} : vector<80x8xi32> to vector<80x1xi32>
      %mul3A_330 = arith.constant 256 : i32
      %mul3A_331 = vector.broadcast %mul3A_330 : i32 to vector<80x1xi32>
      %mul3A_332 = arith.muli %slice3A_329, %mul3A_331 : vector<80x1xi32>
      %convert_element_type3A_333 = arith.sitofp %mul3A_332 : vector<80x1xi32> to vector<80x1xf32>
      %lt3A_334 = vector.broadcast %reduce_sum3A_78 : f32 to vector<80x1xf32>
      %lt3A_335 = arith.cmpf olt, %convert_element_type3A_333, %lt3A_334 : vector<80x1xf32>
      %jit3A_336 = arith.constant 1 : i32
      %jit3A_337 = arith.constant 0 : i32
      %broadcast_in_dim3A_338 = vector.broadcast %jit3A_336 : i32 to vector<80x1xi32>
      %broadcast_in_dim3A_339 = vector.broadcast %jit3A_337 : i32 to vector<80x1xi32>
      %select_n3A_340 = arith.select %lt3A_335, %broadcast_in_dim3A_338, %broadcast_in_dim3A_339 : vector<80x1xi1>, vector<80x1xi32>
      %swap3A_341 = arith.constant 0 : index
      %swap3A_342 = arith.constant 0 : index
      %swap3A_343 = vector.load %arg7[%swap3A_341, %swap3A_342] : memref<80x1xi32, #tpu.memory_space<vmem>>, vector<80x1xi32>
      tpu.vector_store %arg7[%swap3A_341, %swap3A_342], %select_n3A_340 {strides = array<i32>} : memref<80x1xi32, #tpu.memory_space<vmem>>, vector<80x1xi32>,
    } else {
    }
    return
  }
  func.func @transform_0(%arg0: i32) -> (i32, i32) {
    %c0_i32 = arith.constant 0 : i32
    %c0_i32_0 = arith.constant 0 : i32
    return %arg0, %c0_i32 : i32, i32
  }
  func.func @transform_1(%arg0: i32) -> (i32, i32) {
    %c0_i32 = arith.constant 0 : i32
    %c0_i32_0 = arith.constant 0 : i32
    %c0_i32_1 = arith.constant 0 : i32
    return %c0_i32, %c0_i32_0 : i32, i32
  }
  func.func @transform_2(%arg0: i32) -> (i32, i32) {
    %c0_i32 = arith.constant 0 : i32
    %c0_i32_0 = arith.constant 0 : i32
    return %arg0, %c0_i32 : i32, i32
  }
  func.func @transform_3(%arg0: i32) -> (i32, i32) {
    %c0_i32 = arith.constant 0 : i32
    %c0_i32_0 = arith.constant 0 : i32
    %c0_i32_1 = arith.constant 0 : i32
    return %c0_i32, %c0_i32_0 : i32, i32
  }
  func.func @transform_4(%arg0: i32) -> (i32, i32) {
    %c0_i32 = arith.constant 0 : i32
    %c0_i32_0 = arith.constant 0 : i32
    %c0_i32_1 = arith.constant 0 : i32
    return %c0_i32, %c0_i32_0 : i32, i32
  }
  func.func @transform_5(%arg0: i32) -> (i32, i32) {
    %c0_i32 = arith.constant 0 : i32
    %c0_i32_0 = arith.constant 0 : i32
    %c0_i32_1 = arith.constant 0 : i32
    return %c0_i32, %c0_i32_0 : i32, i32
  }
  func.func @transform_6(%arg0: i32) -> (i32, i32) {
    %c0_i32 = arith.constant 0 : i32
    %c0_i32_0 = arith.constant 0 : i32
    %c0_i32_1 = arith.constant 0 : i32
    return %c0_i32, %c0_i32_0 : i32, i32
  }
}

module attributes {stable_mosaic.version = 14 : i64} {
  func.func @_combine_body(%arg0: i32, %arg1: memref<1024x1024xf32, #tpu.memory_space<vmem>>, %arg2: memref<1024x1024xf32, #tpu.memory_space<vmem>>, %arg3: memref<1024x1024xf32, #tpu.memory_space<vmem>>, %arg4: memref<1024x1xf32, #tpu.memory_space<vmem>>, %arg5: memref<1024x1024xf32, #tpu.memory_space<vmem>>) attributes {dimension_semantics = [#tpu.dimension_semantics<arbitrary>], iteration_bounds = array<i64: 4>, scalar_prefetch = 0 : i64, scratch_operands = 0 : i64, tpu.core_type = #tpu.core_type<tc>, window_params = [{transform_indices = @transform_0, window_bounds = array<i64: 1024, 1024>}, {transform_indices = @transform_1, window_bounds = array<i64: 1024, 1024>}, {transform_indices = @transform_2, window_bounds = array<i64: 1024, 1024>}, {transform_indices = @transform_3, window_bounds = array<i64: 1024, 1>}, {transform_indices = @transform_4, window_bounds = array<i64: 1024, 1024>}]} {
    %get3A = arith.constant 0 : index
    %get3A_0 = arith.constant 0 : index
    %get3A_1 = vector.load %arg1[%get3A, %get3A_0] : memref<1024x1024xf32, #tpu.memory_space<vmem>>, vector<1024x1024xf32>
    %get3A_2 = arith.constant 0 : index
    %get3A_3 = arith.constant 0 : index
    %get3A_4 = vector.load %arg4[%get3A_2, %get3A_3] : memref<1024x1xf32, #tpu.memory_space<vmem>>, vector<1024x1xf32>
    %get3A_5 = arith.constant 0 : index
    %get3A_6 = arith.constant 0 : index
    %get3A_7 = vector.load %arg2[%get3A_5, %get3A_6] : memref<1024x1024xf32, #tpu.memory_space<vmem>>, vector<1024x1024xf32>
    %get3A_8 = arith.constant 0 : index
    %get3A_9 = arith.constant 0 : index
    %get3A_10 = vector.load %arg3[%get3A_8, %get3A_9] : memref<1024x1024xf32, #tpu.memory_space<vmem>>, vector<1024x1024xf32>
    %add3A = arith.addf %get3A_7, %get3A_10 : vector<1024x1024xf32>
    %mul3A = vector.broadcast %get3A_4 : vector<1024x1xf32> to vector<1024x1024xf32>
    %mul3A_11 = arith.mulf %mul3A, %add3A : vector<1024x1024xf32>
    %add3A_12 = arith.addf %get3A_1, %mul3A_11 : vector<1024x1024xf32>
    %swap3A = arith.constant 0 : index
    %swap3A_13 = arith.constant 0 : index
    %swap3A_14 = vector.load %arg5[%swap3A, %swap3A_13] : memref<1024x1024xf32, #tpu.memory_space<vmem>>, vector<1024x1024xf32>
    tpu.vector_store %arg5[%swap3A, %swap3A_13], %add3A_12 {strides = array<i32>} : memref<1024x1024xf32, #tpu.memory_space<vmem>>, vector<1024x1024xf32>,
    return
  }
  func.func @transform_0(%arg0: i32) -> (i32, i32) {
    %c0_i32 = arith.constant 0 : i32
    %c0_i32_0 = arith.constant 0 : i32
    return %arg0, %c0_i32 : i32, i32
  }
  func.func @transform_1(%arg0: i32) -> (i32, i32) {
    %c0_i32 = arith.constant 0 : i32
    %c0_i32_0 = arith.constant 0 : i32
    return %arg0, %c0_i32 : i32, i32
  }
  func.func @transform_2(%arg0: i32) -> (i32, i32) {
    %c0_i32 = arith.constant 0 : i32
    %c0_i32_0 = arith.constant 0 : i32
    return %arg0, %c0_i32 : i32, i32
  }
  func.func @transform_3(%arg0: i32) -> (i32, i32) {
    %c0_i32 = arith.constant 0 : i32
    %c0_i32_0 = arith.constant 0 : i32
    return %arg0, %c0_i32 : i32, i32
  }
  func.func @transform_4(%arg0: i32) -> (i32, i32) {
    %c0_i32 = arith.constant 0 : i32
    %c0_i32_0 = arith.constant 0 : i32
    return %arg0, %c0_i32 : i32, i32
  }
}

</mosaic_0001>

<sc_bundles>
// kernel: kernel.10.cloned.1.call-start
scs
__scs_entry_jumppad:
0x0: {  	(pc) =	sbr.rel $0x88, $3  }
0x1: {  	(tag) =	ssettag $0x0;
	lr =	simm.s32 $0x1  }
0x2: {  	[smem:$0x3F9B] =	sst lr;
	_ =	strace $0xD0000000  }
0x3: {  	_ = 	snop  }
0x4: {  	_ = 	snop  }
0x5: {  	_ = 	snop  }
0x6: {  	_ = 	snop  }
0x7: {  	_ = 	snop  }
__scs_overlays_trampoline_lowered:
0x8: {  	[smem:$0x3FAA] =	sst s0  }
0x9: {  	[smem:$0x3FAB] =	sst s1  }
0xa: {  	[smem:$0x3FAC] =	sst s2  }
0xb: {  	[smem:$0x3FAD] =	sst s3  }
0xc: {  	[smem:$0x3FAE] =	sst s4  }
0xd: {  	[smem:$0x3FAF] =	sst s5  }
0xe: {  	[smem:$0x3FB0] =	sst s6  }
0xf: {  	[smem:$0x3FB1] =	sst s7  }
0x10: {  	[smem:$0x3FB2] =	sst s8  }
0x11: {  	[smem:$0x3FB3] =	sst s9;
	s0 =	simm.s32 @!p0 $0x0  }
0x12: {  	s1 =	sld [smem:$0x3F99];
	s0 =	simm.s32 @p0 $0x1  }
0x13: {  	[smem:$0x3FB4] =	sst s0;
	s0 =	simm.s32 @!p1 $0x0  }
0x14: {  	s2 =	sld [smem:$0x3F98];
	s0 =	simm.s32 @p1 $0x1  }
0x15: {  	[smem:$0x3FB5] =	sst s0;
	s0 =	simm.s32 @!p2 $0x0  }
0x16: {  	s3 =	sld [smem:$0x3FDB];
	s0 =	simm.s32 @p2 $0x1  }
0x17: {  	s4 =	simm.s32 $0x1BF5;
	[smem:$0x3FB7] =	sst s0  }
0x18: {  	s0 =	sld [smem:$0x3F9A];
	_ =	swait.ge [sflag:s4], $0x0  }
0x19: {  	s7 =	sld [smem:$0x3F9B]  }
0x1a: {  	s8 =	sadd.s32 $0xFFFFE003, lr  }
0x1b: {  	s9 =	sadd.s32 $0xFFFFFEF7, lr;
	s5 =	simm.s32 $0xFFFFFFFF;
	p2 =	slt.u32 s8, $0xFFFFF086  }
0x1c: {  	p1 =	slt.u32 s9, $0xF7A;
	s5 =	simm.s32 @!p2 $0x0  }
0x1d: {  	s5 =	simm.s32 @p1 $0x1;
	p0 =	seq.s32 s7, s2  }
0x1e: {  	s7 =	smul.u32 @!p0 $0xF7A, s2;
	p2 =	seq.s32 @!p0 s5, $0x0  }
0x1f: {  	s9 =	smul.u32 $0xF7A, s1;
	s8 =	simm.s32 @!p0 $0x1BF5;
	p2 =	por !p2, p0  }
0x20: {  	[sflag:s8] =	ssyncset.s32 @!p0 $0xFFFFF086;
	s6 =	sadd.s32 @!p0 s3, s7;
	s7 =	simm.s32 @!p0 $0x108  }
0x21: {  	s3 =	sadd.s32 s3, s9;
	s6 =	sadd.s32 @!p0 $0x88, s6;
	s7 =	simm.s32 @p2 $0x1082  }
0x22: {  	[simem:s7], [sflag:s8] =	dma.local @!p0 [hbm:s6], $0xF7A  }
0x23: {  	s9 =	sor.u32 $0xD0000000, s2;
	s6 =	simm.s32 $0x108;
	_ =	swait.ge @!p0 [sflag:s8], $0x0  }
0x24: {  	s3 =	sadd.s32 $0x88, s3;
	s6 =	simm.s32 @!p1 $0x1082;
	[sflag:s4] =	ssyncset.s32 $0xFFFFF086  }
0x25: {  	[simem:s6], [sflag:s4] =	dma.local [hbm:s3], $0xF7A  }
0x26: {  	[smem:$0x3F9B] =	sst s1;
	(tag) =	ssettag s2;
	_ =	strace s9  }
0x27: {  	s1 =	sld [smem:$0x3FAB]  }
0x28: {  	s2 =	sld [smem:$0x3FAC]  }
0x29: {  	s4 =	sld [smem:$0x3FAE]  }
0x2a: {  	p0 =	seq.s32 s5, $0x0;
	s5 =	sld [smem:$0x3FAF]  }
0x2b: {  	s6 =	sld [smem:$0x3FB0]  }
0x2c: {  	s7 =	sld [smem:$0x3FB1]  }
0x2d: {  	s3 =	simm.s32 $0x108;
	s8 =	sld [smem:$0x3FB2]  }
0x2e: {  	s3 =	simm.s32 @!p0 $0x1082;
	s9 =	sld [smem:$0x3FB3]  }
0x2f: {  	lr =	sadd.s32 s0, s3;
	s0 =	sld [smem:$0x3FAA]  }
0x30: {  	s3 =	sld [smem:$0x3FAD]  }
0x31: {  	[smem:$0x3FB6] =	sst s10  }
0x32: {  	s10 =	sld [smem:$0x3FB4];
	_ =	sdelay $0x3  }
0x33: {  	p0 =	seq.s32 s10, $0x1;
	s10 =	sld [smem:$0x3FB6];
	_ =	sdelay $0x3  }
0x34: {  	[smem:$0x3FB6] =	sst s10  }
0x35: {  	s10 =	sld [smem:$0x3FB5];
	_ =	sdelay $0x3  }
0x36: {  	p1 =	seq.s32 s10, $0x1;
	s10 =	sld [smem:$0x3FB6];
	_ =	sdelay $0x3  }
0x37: {  	[smem:$0x3FB6] =	sst s10  }
0x38: {  	s10 =	sld [smem:$0x3FB7]  }
0x39: {  	_ = 	snop;
	(pc) =	sbr.ind lr, $3  }
0x3a: {  	_ = 	snop  }
0x3b: {  	_ = 	snop  }
0x3c: {  	p2 =	seq.s32 s10, $0x1;
	s10 =	sld [smem:$0x3FB6]  }
0x3d: {  	_ =	shalt  }
0x3e: {  	_ =	shalt  }
0x3f: {  	_ =	shalt  }
0x40: {  	_ =	shalt  }
0x41: {  	_ =	shalt  }
0x42: {  	_ =	shalt  }
0x43: {  	_ =	shalt  }
0x44: {  	_ =	shalt  }
0x45: {  	_ =	shalt  }
0x46: {  	_ =	shalt  }
0x47: {  	_ =	shalt  }
0x48: {  	_ =	shalt  }
0x49: {  	_ =	shalt  }
0x4a: {  	_ =	shalt  }
0x4b: {  	_ =	shalt  }
0x4c: {  	_ =	shalt  }
0x4d: {  	_ =	shalt  }
0x4e: {  	_ =	shalt  }
0x4f: {  	_ =	shalt  }
0x50: {  	_ =	shalt  }
0x51: {  	_ =	shalt  }
0x52: {  	_ =	shalt  }
0x53: {  	_ =	shalt  }
0x54: {  	_ =	shalt  }
0x55: {  	_ =	shalt  }
0x56: {  	_ =	shalt  }
0x57: {  	_ =	shalt  }
0x58: {  	_ =	shalt  }
0x59: {  	_ =	shalt  }
0x5a: {  	_ =	shalt  }
0x5b: {  	_ =	shalt  }
0x5c: {  	_ =	shalt  }
0x5d: {  	_ =	shalt  }
0x5e: {  	_ =	shalt  }
0x5f: {  	_ =	shalt  }
0x60: {  	_ =	shalt  }
0x61: {  	_ =	shalt  }
0x62: {  	_ =	shalt  }
0x63: {  	_ =	shalt  }
0x64: {  	_ =	shalt  }
0x65: {  	_ =	shalt  }
0x66: {  	_ =	shalt  }
0x67: {  	_ =	shalt  }
0x68: {  	_ =	shalt  }
0x69: {  	_ =	shalt  }
0x6a: {  	_ =	shalt  }
0x6b: {  	_ =	shalt  }
0x6c: {  	_ =	shalt  }
0x6d: {  	_ =	shalt  }
0x6e: {  	_ =	shalt  }
0x6f: {  	_ =	shalt  }
0x70: {  	_ =	shalt  }
0x71: {  	_ =	shalt  }
0x72: {  	_ =	shalt  }
0x73: {  	_ =	shalt  }
0x74: {  	_ =	shalt  }
0x75: {  	_ =	shalt  }
0x76: {  	_ =	shalt  }
0x77: {  	_ =	shalt  }
0x78: {  	_ =	shalt  }
0x79: {  	_ =	shalt  }
0x7a: {  	_ =	shalt  }
0x7b: {  	_ =	shalt  }
0x7c: {  	_ =	shalt  }
0x7d: {  	_ =	shalt  }
0x7e: {  	_ =	shalt  }
0x7f: {  	_ =	shalt  }
0x80: {  	_ =	shalt  }
0x81: {  	_ =	shalt  }
0x82: {  	_ =	shalt  }
0x83: {  	_ =	shalt  }
0x84: {  	_ =	shalt  }
0x85: {  	_ =	shalt  }
0x86: {  	_ =	shalt  }
0x87: {  	_ =	shalt  }
.Lfunc_end0:
.L_simem_size_0:
called_computation.1_lowered:
.L_overlay_start_0:
0x88: {  	s2 =	sld [smem:$0x3FD9]  }
0x89: {  	s3 =	sld [smem:$0x3FFE];
	_ =	sdelay $0x1  }
0x8a: {  	s1 =	srdreg.scid  }
0x8b: {  	s0 =	sand.u32 $0x1, s1  }
0x8c: {  	s16 =	sshll.u32 s0, $0xA;
	s2 =	sadd.s32 s3, s2  }
0x8d: {  	s2 =	sadd.s32 s2, s16  }
0x8e: {  	[smem:$0x3FC2] =	sst s2  }
0x8f: {  	_ = 	snop  }
0x90: {  	(tm) =	ssettm $0x1  }
0x91: {  	s17 =	sld [smem:$0x3FFB];
	_ =	sdelay $0x3  }
0x92: {  	_ =	strace s17  }
0x93: {  	s2 =	sld [smem:$0x3FFC];
	_ =	sdelay $0x3  }
0x94: {  	_ =	strace s2  }
0x95: {  	s2 =	sld [smem:$0x3FFD];
	_ =	sdelay $0x3  }
0x96: {  	_ =	strace s2  }
0x97: {  	_ =	strace $0x8FFFFFFF  }
0x98: {  	s18 =	sld [smem:$0x3FDB];
	_ =	sdelay $0x1  }
0x99: {  	s19 =	simm.s32 $_scs_section_size  }
0x9a: {  	s4 =	simm.s32 $_size__tile_overlayer_lowered;
	s5 =	simm.s32 $_tile_overlayer_lowered  }
0x9b: {  	s22 =	simm.s32 $0x1BFF;
	s21 =	sshll.u32 s5, $0x1;
	s2 =	sadd.s32 s19, s18  }
0x9c: {  	s6 =	simm.s32 $0x0;
	s20 =	sshll.u32 s4, $0x1;
	s4 =	sadd.s32 s21, s2  }
0x9d: {  	[timem:s6], [sflag:s22] =	dma.local [hbm:s4], s20  }
0x9e: {  	_ =	swait.ge [sflag:s22], s20  }
0x9f: {  	s3 =	ssub.s32 $0x0, s20;
	[sflag:s22] =	ssyncset.done $0x0  }
0xa0: {  	[sflag:s22] =	ssyncadd.s32 s3;
	_ =	sdelay $0x1  }
0xa1: {  	s23 =	simm.s32 $0x1B8B  }
0xa2: {  	_ =	swait.ge [sflag:s23], $0x1  }
0xa3: {  	[sflag:s23] =	ssyncset.done $0x0  }
0xa4: {  	s25 =	simm.s32 $0x1B8E;
	s24 =	sld [smem:$0x3FFE];
	[sflag:s23] =	ssyncadd.s32 $0xFFFFFFFF  }
0xa5: {  	s26 =	simm.s32 $execute0_lowered;
	[smem:$0x3FD2] =	sst s25  }
0xa6: {  	s4 =	sshll.u32 s26, $0x1;
	_ =	strace $0x80000049;
	[dreg:$0x1] =	wrdreg $0xFFFFFFFF  }
0xa7: {  	s28 =	simm.s32 $_size_execute0_lowered;
	s2 =	sadd.s32 s2, s4;
	[dreg:$0x0] =	wrdreg $0x0  }
0xa8: {  	s4 =	sshll.u32 s28, $0x1;
	[dreg:$0x2] =	wrdreg s2  }
0xa9: {  	[dreg:$0x3] =	wrdreg s4  }
0xaa: {  	[dreg:$0x4] =	wrdreg $0xC0  }
0xab: {  	_ =	task [dreg:s6], $0x5FFFF  }
0xac: {  	[dreg:$0x1] =	wrdreg $0xFFFFFFFF  }
0xad: {  	[dreg:$0x0] =	wrdreg $0x60  }
0xae: {  	[dreg:$0x2] =	wrdreg s24  }
0xaf: {  	[dreg:$0x3] =	wrdreg $0x9  }
0xb0: {  	_ =	task.clear_ibuf [dreg:s6], $0x4FFFF;
	_ =	strace $0x90000049  }
0xb1: {  	s29 =	simm.s32 $0x9;
	_ =	strace $0x8000004B  }
0xb2: {  	_ =	swait.ge [sflag:s29], $0x1  }
0xb3: {  	[sflag:s29] =	ssyncadd.s32 $0xFFFFFFFF  }
0xb4: {  	_ =	strace $0x9000004B  }
0xb5: {  	_ =	sfence  }
0xb6: {  	s30 =	sld [smem:$0x0];
	_ =	sdelay $0x2  }
0xb7: {  	s31 =	sshll.u32 s1, $0xD;
	s1 =	sshrl.u32 s1, $0x2  }
0xb8: {  	s3 =	sand.u32 $0x4000, s31;
	s1 =	sadd.s32 s1, s30  }
0xb9: {  	s0 =	sor.u32 s3, s0;
	s1 =	sshll.u32 s1, $0x11  }
0xba: {  	s0 =	sor.u32 s1, s0  }
0xbb: {  	s0 =	sadd.s32 $0x8F2B, s0  }
0xbc: {  	[sflag:s0] =	ssyncadd.remote.s32 $0x1  }
0xbd: {  	_ =	sfence.sel $0xFFFF  }
0xbe: {  	[dreg:$0x0] =	wrdreg $0xFFFFFFFF;
	(pc) =	sbr.abs _section_cstart, $3  }
0xbf: {  	[dreg:$0x1] =	wrdreg $0xFFFFFFFF  }
0xc0: {  	_ =	task.clear_ibuf [dreg:s6], $0x2FFFF;
	_ =	strace $0x9FFFFFFF  }
0xc1: {  	(tm) =	ssettm $0x7FFFFFFF  }
tec
execute0_lowered:
.L_overlay_start_1:
0x0: {  	(tag) =	ssettag $0x1  }
0x1: {  	s0 =	rddreg [dreg:$0x0]  }
0x2: {  	s2 =	simm.s32 $0x0;
	s1 =	srdreg.scid;
	s4 =	stileid.u32  }
0x3: {  	s29 =	simm.s32 $0x80;
	[smem:$0x7FF] =	sst s2;
	s1 =	sand.u32 $0x1, s1  }
0x4: {  	s3 =	sadd.s32 $0x140800, s0;
	s4 =	sshll.u32 s4, $0x8;
	s5 =	sshll.u32 s1, $0x7  }
0x5: {  	s6 =	sadd.s32 $0x400, s0;
	s7 =	sadd.s32 $0x80400, s0;
	s4 =	sor.u32 s5, s4  }
0x6: {  	_ =	strace $0x8000004A;
	s1 =	ssub.s32 $0x2, s1;
	s8 =	sshll.u32 s4, $0x7  }
0x7: {  	s25 =	sshrl.u32 s1, $0x1;
	s4 =	sshrl.u32 s4, $0x3;
	s9 =	sadd.s32 s6, s8  }
0x8: {  	s5 =	sadd.s32 $0x140900, s0;
	s11 =	sadd.s32 s0, s4;
	[dreg:$0x2] =	wrdreg s9  }
0x9: {  	s10 =	sor.u32 $0x2000, s8;
	s30 =	sadd.s32 s7, s8;
	[dreg:$0x7] =	wrdreg s11  }
0xa: {  	s1 =	ssub.s32 s1, s25;
	s26 =	sadd.s32 s6, s10;
	[dreg:$0x5] =	wrdreg s30  }
0xb: {  	v2 =	vlaneseq.u32;
	s8 =	smax.u32 s1, $0x1;
	s28 =	sadd.s32 $0x200, s11;
	[dreg:$0x3] =	wrdreg s26  }
0xc: {  	vm0 =	vmmov $0xffff;
	v1 =	vshrl.u32 v2, $0x3;
	s6 =	sadd.s32 $0x140A00, s0;
	s31 =	sadd.s32 s7, s10;
	[dreg:$0x4] =	wrdreg s28  }
0xd: {  	v0 =	vand.u32 $0x7, v2;
	v2 =	vor.u32 $0x8, v2;
	v1 =	vmul.u32 $0x8, v1;
	s7 =	sadd.s32 $0x140B00, s0;
	s9 =	simm.s32 $0x1;
	[dreg:$0x6] =	wrdreg s31  }
.LBB2_1:
0xe: {  	s19 =	rddreg [dreg:$0x7]  }
0xf: {  	[tilespmem:s2], [sflag:$0x1] =	stream.linear.gather [hbm4b:s19+s2], $0x80, $0x38;
	[tilespmem:$0x10080] =	vst v63  }
0x10: {  	_ =	swait.ge [sflag:s9], $0x80  }
0x11: {  	[sflag:s9] =	ssyncset.done $0x0  }
0x12: {  	[sflag:s9] =	ssyncadd.s32 $0xFFFFFF80  }
0x13: {  	v3 =	vld [tilespmem:$0x0];
	_ =	sdelay $0x4  }
0x14: {  	v4 =	vshll.u32 v3, $0x3  }
0x15: {  	v3 =	vand.u32 $0x7, v3;
	v4 =	vand.u32 $0xFFFFFFC0, v4  }
0x16: {  	v3 =	vor.u32 v3, v4  }
0x17: {  	v4 =	vperm.xlane v3, v0;
	_ =	sdelay $0x1  }
0x18: {  	v4 =	vadd.s32 v1, v4;
	_ =	sdelay $0x4  }
0x19: {  	[tilespmem:s29], [sflag:$0x1] =	stream.indirect_vreg.gather [hbm4b:s3+s2], $0x80, v4, vm0, $0xb8;
	[tilespmem:$0x10080] =	vst v63  }
0x1a: {  	s0 =	simm.s32 $0x880;
	v3 =	vperm.xlane v3, v2  }
0x1b: {  	[tilespmem:s0], [sflag:$0x1] =	stream.indirect_vreg.gather [hbm4b:s5+s2], $0x80, v4, vm0, $0xb8;
	[tilespmem:$0x10080] =	vst v63  }
0x1c: {  	s18 =	simm.s32 $0x1080;
	v3 =	vadd.s32 v1, v3  }
0x1d: {  	[tilespmem:s18], [sflag:$0x1] =	stream.indirect_vreg.gather [hbm4b:s6+s2], $0x80, v4, vm0, $0xb8;
	[tilespmem:$0x10080] =	vst v63  }
0x1e: {  	s19 =	simm.s32 $0x1880  }
0x1f: {  	[tilespmem:s19], [sflag:$0x1] =	stream.indirect_vreg.gather [hbm4b:s7+s2], $0x80, v4, vm0, $0xb8;
	[tilespmem:$0x10080] =	vst v63  }
0x20: {  	s20 =	simm.s32 $0x2080  }
0x21: {  	[tilespmem:s20], [sflag:$0x1] =	stream.indirect_vreg.gather [hbm4b:s3+s2], $0x80, v3, vm0, $0xb8;
	[tilespmem:$0x10080] =	vst v63  }
0x22: {  	s21 =	simm.s32 $0x2880  }
0x23: {  	[tilespmem:s21], [sflag:$0x1] =	stream.indirect_vreg.gather [hbm4b:s5+s2], $0x80, v3, vm0, $0xb8;
	[tilespmem:$0x10080] =	vst v63  }
0x24: {  	s22 =	simm.s32 $0x3080  }
0x25: {  	[tilespmem:s22], [sflag:$0x1] =	stream.indirect_vreg.gather [hbm4b:s6+s2], $0x80, v3, vm0, $0xb8;
	[tilespmem:$0x10080] =	vst v63  }
0x26: {  	s23 =	simm.s32 $0x3880  }
0x27: {  	[tilespmem:s23], [sflag:$0x1] =	stream.indirect_vreg.gather [hbm4b:s7+s2], $0x80, v3, vm0, $0xb8;
	[tilespmem:$0x10080] =	vst v63  }
0x28: {  	v3 =	vld [tilespmem:$0x10];
	_ =	sdelay $0x4  }
0x29: {  	v49 =	vshll.u32 v3, $0x3  }
0x2a: {  	v3 =	vand.u32 $0x7, v3;
	v4 =	vand.u32 $0xFFFFFFC0, v49  }
0x2b: {  	v3 =	vor.u32 v3, v4  }
0x2c: {  	v4 =	vperm.xlane v3, v0;
	_ =	sdelay $0x1  }
0x2d: {  	v4 =	vadd.s32 v1, v4;
	_ =	sdelay $0x3  }
0x2e: {  	s24 =	simm.s32 $0x4080  }
0x2f: {  	[tilespmem:s24], [sflag:$0x1] =	stream.indirect_vreg.gather [hbm4b:s3+s2], $0x80, v4, vm0, $0xb8;
	[tilespmem:$0x10080] =	vst v63  }
0x30: {  	s25 =	simm.s32 $0x4880;
	v3 =	vperm.xlane v3, v2  }
0x31: {  	[tilespmem:s25], [sflag:$0x1] =	stream.indirect_vreg.gather [hbm4b:s5+s2], $0x80, v4, vm0, $0xb8;
	[tilespmem:$0x10080] =	vst v63  }
0x32: {  	s26 =	simm.s32 $0x5080;
	v3 =	vadd.s32 v1, v3  }
0x33: {  	[tilespmem:s26], [sflag:$0x1] =	stream.indirect_vreg.gather [hbm4b:s6+s2], $0x80, v4, vm0, $0xb8;
	[tilespmem:$0x10080] =	vst v63  }
0x34: {  	s28 =	simm.s32 $0x5880  }
0x35: {  	[tilespmem:s28], [sflag:$0x1] =	stream.indirect_vreg.gather [hbm4b:s7+s2], $0x80, v4, vm0, $0xb8;
	[tilespmem:$0x10080] =	vst v63  }
0x36: {  	s30 =	simm.s32 $0x6080  }
0x37: {  	[tilespmem:s30], [sflag:$0x1] =	stream.indirect_vreg.gather [hbm4b:s3+s2], $0x80, v3, vm0, $0xb8;
	[tilespmem:$0x10080] =	vst v63  }
0x38: {  	s31 =	simm.s32 $0x6880  }
0x39: {  	[tilespmem:s31], [sflag:$0x1] =	stream.indirect_vreg.gather [hbm4b:s5+s2], $0x80, v3, vm0, $0xb8;
	[tilespmem:$0x10080] =	vst v63  }
0x3a: {  	s13 =	simm.s32 $0x7080  }
0x3b: {  	[tilespmem:s13], [sflag:$0x1] =	stream.indirect_vreg.gather [hbm4b:s6+s2], $0x80, v3, vm0, $0xb8;
	[tilespmem:$0x10080] =	vst v63  }
0x3c: {  	s16 =	simm.s32 $0x7880  }
0x3d: {  	[tilespmem:s16], [sflag:$0x1] =	stream.indirect_vreg.gather [hbm4b:s7+s2], $0x80, v3, vm0, $0xb8;
	[tilespmem:$0x10080] =	vst v63  }
0x3e: {  	v3 =	vld [tilespmem:$0x20];
	_ =	sdelay $0x4  }
0x3f: {  	v50 =	vshll.u32 v3, $0x3  }
0x40: {  	v3 =	vand.u32 $0x7, v3;
	v4 =	vand.u32 $0xFFFFFFC0, v50  }
0x41: {  	v3 =	vor.u32 v3, v4  }
0x42: {  	v4 =	vperm.xlane v3, v0;
	_ =	sdelay $0x1  }
0x43: {  	v4 =	vadd.s32 v1, v4;
	_ =	sdelay $0x3  }
0x44: {  	s17 =	simm.s32 $0x8080  }
0x45: {  	[tilespmem:s17], [sflag:$0x1] =	stream.indirect_vreg.gather [hbm4b:s3+s2], $0x80, v4, vm0, $0xb8;
	[tilespmem:$0x10080] =	vst v63  }
0x46: {  	s18 =	simm.s32 $0x8880;
	v3 =	vperm.xlane v3, v2  }
0x47: {  	[tilespmem:s18], [sflag:$0x1] =	stream.indirect_vreg.gather [hbm4b:s5+s2], $0x80, v4, vm0, $0xb8;
	[tilespmem:$0x10080] =	vst v63  }
0x48: {  	s19 =	simm.s32 $0x9080;
	v3 =	vadd.s32 v1, v3  }
0x49: {  	[tilespmem:s19], [sflag:$0x1] =	stream.indirect_vreg.gather [hbm4b:s6+s2], $0x80, v4, vm0, $0xb8;
	[tilespmem:$0x10080] =	vst v63  }
0x4a: {  	s20 =	simm.s32 $0x9880  }
0x4b: {  	[tilespmem:s20], [sflag:$0x1] =	stream.indirect_vreg.gather [hbm4b:s7+s2], $0x80, v4, vm0, $0xb8;
	[tilespmem:$0x10080] =	vst v63  }
0x4c: {  	s21 =	simm.s32 $0xA080  }
0x4d: {  	[tilespmem:s21], [sflag:$0x1] =	stream.indirect_vreg.gather [hbm4b:s3+s2], $0x80, v3, vm0, $0xb8;
	[tilespmem:$0x10080] =	vst v63  }
0x4e: {  	s22 =	simm.s32 $0xA880  }
0x4f: {  	[tilespmem:s22], [sflag:$0x1] =	stream.indirect_vreg.gather [hbm4b:s5+s2], $0x80, v3, vm0, $0xb8;
	[tilespmem:$0x10080] =	vst v63  }
0x50: {  	s23 =	simm.s32 $0xB080  }
0x51: {  	[tilespmem:s23], [sflag:$0x1] =	stream.indirect_vreg.gather [hbm4b:s6+s2], $0x80, v3, vm0, $0xb8;
	[tilespmem:$0x10080] =	vst v63  }
0x52: {  	s24 =	simm.s32 $0xB880  }
0x53: {  	[tilespmem:s24], [sflag:$0x1] =	stream.indirect_vreg.gather [hbm4b:s7+s2], $0x80, v3, vm0, $0xb8;
	[tilespmem:$0x10080] =	vst v63  }
0x54: {  	v3 =	vld [tilespmem:$0x30];
	_ =	sdelay $0x4  }
0x55: {  	v51 =	vshll.u32 v3, $0x3  }
0x56: {  	v3 =	vand.u32 $0x7, v3;
	v4 =	vand.u32 $0xFFFFFFC0, v51  }
0x57: {  	v3 =	vor.u32 v3, v4  }
0x58: {  	v4 =	vperm.xlane v3, v0;
	_ =	sdelay $0x1  }
0x59: {  	v4 =	vadd.s32 v1, v4;
	_ =	sdelay $0x3  }
0x5a: {  	s25 =	simm.s32 $0xC080  }
0x5b: {  	[tilespmem:s25], [sflag:$0x1] =	stream.indirect_vreg.gather [hbm4b:s3+s2], $0x80, v4, vm0, $0xb8;
	[tilespmem:$0x10080] =	vst v63  }
0x5c: {  	s26 =	simm.s32 $0xC880;
	v3 =	vperm.xlane v3, v2  }
0x5d: {  	[tilespmem:s26], [sflag:$0x1] =	stream.indirect_vreg.gather [hbm4b:s5+s2], $0x80, v4, vm0, $0xb8;
	[tilespmem:$0x10080] =	vst v63  }
0x5e: {  	s30 =	simm.s32 $0xD080;
	v3 =	vadd.s32 v1, v3  }
0x5f: {  	[tilespmem:s30], [sflag:$0x1] =	stream.indirect_vreg.gather [hbm4b:s6+s2], $0x80, v4, vm0, $0xb8;
	[tilespmem:$0x10080] =	vst v63  }
0x60: {  	s31 =	simm.s32 $0xD880  }
0x61: {  	[tilespmem:s31], [sflag:$0x1] =	stream.indirect_vreg.gather [hbm4b:s7+s2], $0x80, v4, vm0, $0xb8;
	[tilespmem:$0x10080] =	vst v63  }
0x62: {  	s0 =	simm.s32 $0xE080  }
0x63: {  	[tilespmem:s0], [sflag:$0x1] =	stream.indirect_vreg.gather [hbm4b:s3+s2], $0x80, v3, vm0, $0xb8;
	[tilespmem:$0x10080] =	vst v63  }
0x64: {  	s16 =	simm.s32 $0xE880  }
0x65: {  	[tilespmem:s16], [sflag:$0x1] =	stream.indirect_vreg.gather [hbm4b:s5+s2], $0x80, v3, vm0, $0xb8;
	[tilespmem:$0x10080] =	vst v63  }
0x66: {  	s17 =	simm.s32 $0xF080  }
0x67: {  	[tilespmem:s17], [sflag:$0x1] =	stream.indirect_vreg.gather [hbm4b:s6+s2], $0x80, v3, vm0, $0xb8;
	[tilespmem:$0x10080] =	vst v63  }
0x68: {  	s18 =	simm.s32 $0xF880  }
0x69: {  	[tilespmem:s18], [sflag:$0x1] =	stream.indirect_vreg.gather [hbm4b:s7+s2], $0x80, v3, vm0, $0xb8;
	[tilespmem:$0x10080] =	vst v63  }
0x6a: {  	_ =	swait.ge [sflag:s9], $0x10000  }
0x6b: {  	[sflag:s9] =	ssyncset.done $0x0  }
0x6c: {  	s20 =	rddreg [dreg:$0x2];
	[sflag:s9] =	ssyncadd.s32 $0xFFFF0000  }
0x6d: {  	[hbm4b:s20+s2] =	stream.linear.scatter [tilespmem:s29], [sflag:$0x1], $0x10000, $0x38;
	[tilespmem:$0x10080] =	vst v63  }
0x6e: {  	_ =	swait.ge [sflag:s9], $0x10000  }
0x6f: {  	[sflag:s9] =	ssyncset.done $0x0  }
0x70: {  	[sflag:s9] =	ssyncadd.s32 $0xFFFF0000  }
0x71: {  	v3 =	vld [tilespmem:$0x40];
	_ =	sdelay $0x4  }
0x72: {  	v52 =	vshll.u32 v3, $0x3  }
0x73: {  	v3 =	vand.u32 $0x7, v3;
	v4 =	vand.u32 $0xFFFFFFC0, v52  }
0x74: {  	v3 =	vor.u32 v3, v4  }
0x75: {  	v4 =	vperm.xlane v3, v0;
	_ =	sdelay $0x1  }
0x76: {  	v4 =	vadd.s32 v1, v4;
	_ =	sdelay $0x4  }
0x77: {  	[tilespmem:s29], [sflag:$0x1] =	stream.indirect_vreg.gather [hbm4b:s3+s2], $0x80, v4, vm0, $0xb8;
	[tilespmem:$0x10080] =	vst v63  }
0x78: {  	s14 =	simm.s32 $0x880;
	v3 =	vperm.xlane v3, v2  }
0x79: {  	[tilespmem:s14], [sflag:$0x1] =	stream.indirect_vreg.gather [hbm4b:s5+s2], $0x80, v4, vm0, $0xb8;
	[tilespmem:$0x10080] =	vst v63  }
0x7a: {  	s1 =	simm.s32 $0x1080;
	v3 =	vadd.s32 v1, v3  }
0x7b: {  	[tilespmem:s1], [sflag:$0x1] =	stream.indirect_vreg.gather [hbm4b:s6+s2], $0x80, v4, vm0, $0xb8;
	[tilespmem:$0x10080] =	vst v63  }
0x7c: {  	s4 =	simm.s32 $0x1880  }
0x7d: {  	[tilespmem:s4], [sflag:$0x1] =	stream.indirect_vreg.gather [hbm4b:s7+s2], $0x80, v4, vm0, $0xb8;
	[tilespmem:$0x10080] =	vst v63  }
0x7e: {  	s10 =	simm.s32 $0x2080  }
0x7f: {  	[tilespmem:s10], [sflag:$0x1] =	stream.indirect_vreg.gather [hbm4b:s3+s2], $0x80, v3, vm0, $0xb8;
	[tilespmem:$0x10080] =	vst v63  }
0x80: {  	s11 =	simm.s32 $0x2880  }
0x81: {  	[tilespmem:s11], [sflag:$0x1] =	stream.indirect_vreg.gather [hbm4b:s5+s2], $0x80, v3, vm0, $0xb8;
	[tilespmem:$0x10080] =	vst v63  }
0x82: {  	s12 =	simm.s32 $0x3080  }
0x83: {  	[tilespmem:s12], [sflag:$0x1] =	stream.indirect_vreg.gather [hbm4b:s6+s2], $0x80, v3, vm0, $0xb8;
	[tilespmem:$0x10080] =	vst v63  }
0x84: {  	s15 =	simm.s32 $0x3880  }
0x85: {  	[tilespmem:s15], [sflag:$0x1] =	stream.indirect_vreg.gather [hbm4b:s7+s2], $0x80, v3, vm0, $0xb8;
	[tilespmem:$0x10080] =	vst v63  }
0x86: {  	v3 =	vld [tilespmem:$0x50];
	_ =	sdelay $0x4  }
0x87: {  	v53 =	vshll.u32 v3, $0x3  }
0x88: {  	v3 =	vand.u32 $0x7, v3;
	v4 =	vand.u32 $0xFFFFFFC0, v53  }
0x89: {  	v3 =	vor.u32 v3, v4  }
0x8a: {  	v4 =	vperm.xlane v3, v0;
	_ =	sdelay $0x1  }
0x8b: {  	v4 =	vadd.s32 v1, v4;
	_ =	sdelay $0x3  }
0x8c: {  	s16 =	simm.s32 $0x4080  }
0x8d: {  	[tilespmem:s16], [sflag:$0x1] =	stream.indirect_vreg.gather [hbm4b:s3+s2], $0x80, v4, vm0, $0xb8;
	[tilespmem:$0x10080] =	vst v63  }
0x8e: {  	s17 =	simm.s32 $0x4880;
	v3 =	vperm.xlane v3, v2  }
0x8f: {  	[tilespmem:s17], [sflag:$0x1] =	stream.indirect_vreg.gather [hbm4b:s5+s2], $0x80, v4, vm0, $0xb8;
	[tilespmem:$0x10080] =	vst v63  }
0x90: {  	s18 =	simm.s32 $0x5080;
	v3 =	vadd.s32 v1, v3  }
0x91: {  	[tilespmem:s18], [sflag:$0x1] =	stream.indirect_vreg.gather [hbm4b:s6+s2], $0x80, v4, vm0, $0xb8;
	[tilespmem:$0x10080] =	vst v63  }
0x92: {  	s20 =	simm.s32 $0x5880  }
0x93: {  	[tilespmem:s20], [sflag:$0x1] =	stream.indirect_vreg.gather [hbm4b:s7+s2], $0x80, v4, vm0, $0xb8;
	[tilespmem:$0x10080] =	vst v63  }
0x94: {  	s0 =	simm.s32 $0x6080  }
0x95: {  	[tilespmem:s0], [sflag:$0x1] =	stream.indirect_vreg.gather [hbm4b:s3+s2], $0x80, v3, vm0, $0xb8;
	[tilespmem:$0x10080] =	vst v63  }
0x96: {  	s1 =	simm.s32 $0x6880  }
0x97: {  	[tilespmem:s1], [sflag:$0x1] =	stream.indirect_vreg.gather [hbm4b:s5+s2], $0x80, v3, vm0, $0xb8;
	[tilespmem:$0x10080] =	vst v63  }
0x98: {  	s4 =	simm.s32 $0x7080  }
0x99: {  	[tilespmem:s4], [sflag:$0x1] =	stream.indirect_vreg.gather [hbm4b:s6+s2], $0x80, v3, vm0, $0xb8;
	[tilespmem:$0x10080] =	vst v63  }
0x9a: {  	s13 =	simm.s32 $0x7880  }
0x9b: {  	[tilespmem:s13], [sflag:$0x1] =	stream.indirect_vreg.gather [hbm4b:s7+s2], $0x80, v3, vm0, $0xb8;
	[tilespmem:$0x10080] =	vst v63  }
0x9c: {  	v3 =	vld [tilespmem:$0x60];
	_ =	sdelay $0x4  }
0x9d: {  	v54 =	vshll.u32 v3, $0x3  }
0x9e: {  	v3 =	vand.u32 $0x7, v3;
	v4 =	vand.u32 $0xFFFFFFC0, v54  }
0x9f: {  	v3 =	vor.u32 v3, v4  }
0xa0: {  	v4 =	vperm.xlane v3, v0;
	_ =	sdelay $0x1  }
0xa1: {  	v4 =	vadd.s32 v1, v4;
	_ =	sdelay $0x3  }
0xa2: {  	s14 =	simm.s32 $0x8080  }
0xa3: {  	[tilespmem:s14], [sflag:$0x1] =	stream.indirect_vreg.gather [hbm4b:s3+s2], $0x80, v4, vm0, $0xb8;
	[tilespmem:$0x10080] =	vst v63  }
0xa4: {  	s15 =	simm.s32 $0x8880;
	v3 =	vperm.xlane v3, v2  }
0xa5: {  	[tilespmem:s15], [sflag:$0x1] =	stream.indirect_vreg.gather [hbm4b:s5+s2], $0x80, v4, vm0, $0xb8;
	[tilespmem:$0x10080] =	vst v63  }
0xa6: {  	s10 =	simm.s32 $0x9080;
	v3 =	vadd.s32 v1, v3  }
0xa7: {  	[tilespmem:s10], [sflag:$0x1] =	stream.indirect_vreg.gather [hbm4b:s6+s2], $0x80, v4, vm0, $0xb8;
	[tilespmem:$0x10080] =	vst v63  }
0xa8: {  	s11 =	simm.s32 $0x9880  }
0xa9: {  	[tilespmem:s11], [sflag:$0x1] =	stream.indirect_vreg.gather [hbm4b:s7+s2], $0x80, v4, vm0, $0xb8;
	[tilespmem:$0x10080] =	vst v63  }
0xaa: {  	s12 =	simm.s32 $0xA080  }
0xab: {  	[tilespmem:s12], [sflag:$0x1] =	stream.indirect_vreg.gather [hbm4b:s3+s2], $0x80, v3, vm0, $0xb8;
	[tilespmem:$0x10080] =	vst v63  }
0xac: {  	s13 =	simm.s32 $0xA880  }
0xad: {  	[tilespmem:s13], [sflag:$0x1] =	stream.indirect_vreg.gather [hbm4b:s5+s2], $0x80, v3, vm0, $0xb8;
	[tilespmem:$0x10080] =	vst v63  }
0xae: {  	s28 =	simm.s32 $0xB080  }
0xaf: {  	[tilespmem:s28], [sflag:$0x1] =	stream.indirect_vreg.gather [hbm4b:s6+s2], $0x80, v3, vm0, $0xb8;
	[tilespmem:$0x10080] =	vst v63  }
0xb0: {  	s24 =	simm.s32 $0xB880  }
0xb1: {  	[tilespmem:s24], [sflag:$0x1] =	stream.indirect_vreg.gather [hbm4b:s7+s2], $0x80, v3, vm0, $0xb8;
	[tilespmem:$0x10080] =	vst v63  }
0xb2: {  	v3 =	vld [tilespmem:$0x70];
	_ =	sdelay $0x4  }
0xb3: {  	v55 =	vshll.u32 v3, $0x3  }
0xb4: {  	v3 =	vand.u32 $0x7, v3;
	v4 =	vand.u32 $0xFFFFFFC0, v55  }
0xb5: {  	v3 =	vor.u32 v3, v4  }
0xb6: {  	v4 =	vperm.xlane v3, v0;
	_ =	sdelay $0x1  }
0xb7: {  	v4 =	vadd.s32 v1, v4;
	_ =	sdelay $0x3  }
0xb8: {  	s21 =	simm.s32 $0xC080  }
0xb9: {  	[tilespmem:s21], [sflag:$0x1] =	stream.indirect_vreg.gather [hbm4b:s3+s2], $0x80, v4, vm0, $0xb8;
	[tilespmem:$0x10080] =	vst v63  }
0xba: {  	s22 =	simm.s32 $0xC880;
	v3 =	vperm.xlane v3, v2  }
0xbb: {  	[tilespmem:s22], [sflag:$0x1] =	stream.indirect_vreg.gather [hbm4b:s5+s2], $0x80, v4, vm0, $0xb8;
	[tilespmem:$0x10080] =	vst v63  }
0xbc: {  	s26 =	simm.s32 $0xD080;
	v3 =	vadd.s32 v1, v3  }
0xbd: {  	[tilespmem:s26], [sflag:$0x1] =	stream.indirect_vreg.gather [hbm4b:s6+s2], $0x80, v4, vm0, $0xb8;
	[tilespmem:$0x10080] =	vst v63  }
0xbe: {  	s30 =	simm.s32 $0xD880  }
0xbf: {  	[tilespmem:s30], [sflag:$0x1] =	stream.indirect_vreg.gather [hbm4b:s7+s2], $0x80, v4, vm0, $0xb8;
	[tilespmem:$0x10080] =	vst v63  }
0xc0: {  	s31 =	simm.s32 $0xE080  }
0xc1: {  	[tilespmem:s31], [sflag:$0x1] =	stream.indirect_vreg.gather [hbm4b:s3+s2], $0x80, v3, vm0, $0xb8;
	[tilespmem:$0x10080] =	vst v63  }
0xc2: {  	s26 =	simm.s32 $0xE880  }
0xc3: {  	[tilespmem:s26], [sflag:$0x1] =	stream.indirect_vreg.gather [hbm4b:s5+s2], $0x80, v3, vm0, $0xb8;
	[tilespmem:$0x10080] =	vst v63  }
0xc4: {  	s25 =	simm.s32 $0xF080  }
0xc5: {  	[tilespmem:s25], [sflag:$0x1] =	stream.indirect_vreg.gather [hbm4b:s6+s2], $0x80, v3, vm0, $0xb8;
	[tilespmem:$0x10080] =	vst v63  }
0xc6: {  	s23 =	simm.s32 $0xF880  }
0xc7: {  	[tilespmem:s23], [sflag:$0x1] =	stream.indirect_vreg.gather [hbm4b:s7+s2], $0x80, v3, vm0, $0xb8;
	[tilespmem:$0x10080] =	vst v63  }
0xc8: {  	_ =	swait.ge [sflag:s9], $0x10000  }
0xc9: {  	[sflag:s9] =	ssyncset.done $0x0  }
0xca: {  	s30 =	rddreg [dreg:$0x3];
	[sflag:s9] =	ssyncadd.s32 $0xFFFF0000  }
0xcb: {  	[hbm4b:s30+s2] =	stream.linear.scatter [tilespmem:s29], [sflag:$0x1], $0x10000, $0x38;
	[tilespmem:$0x10080] =	vst v63  }
0xcc: {  	_ =	swait.ge [sflag:s9], $0x10000  }
0xcd: {  	[sflag:s9] =	ssyncset.done $0x0  }
0xce: {  	s31 =	rddreg [dreg:$0x4];
	[sflag:s9] =	ssyncadd.s32 $0xFFFF0000  }
0xcf: {  	[tilespmem:s2], [sflag:$0x1] =	stream.linear.gather [hbm4b:s31+s2], $0x80, $0x38;
	[tilespmem:$0x10080] =	vst v63  }
0xd0: {  	_ =	swait.ge [sflag:s9], $0x80  }
0xd1: {  	[sflag:s9] =	ssyncset.done $0x0  }
0xd2: {  	[sflag:s9] =	ssyncadd.s32 $0xFFFFFF80  }
0xd3: {  	v3 =	vld [tilespmem:$0x0];
	_ =	sdelay $0x4  }
0xd4: {  	v56 =	vshll.u32 v3, $0x3  }
0xd5: {  	v3 =	vand.u32 $0x7, v3;
	v4 =	vand.u32 $0xFFFFFFC0, v56  }
0xd6: {  	v3 =	vor.u32 v3, v4  }
0xd7: {  	v4 =	vperm.xlane v3, v0;
	_ =	sdelay $0x1  }
0xd8: {  	v4 =	vadd.s32 v1, v4;
	_ =	sdelay $0x4  }
0xd9: {  	[tilespmem:s29], [sflag:$0x1] =	stream.indirect_vreg.gather [hbm4b:s3+s2], $0x80, v4, vm0, $0xb8;
	[tilespmem:$0x10080] =	vst v63  }
0xda: {  	s23 =	simm.s32 $0x880;
	v3 =	vperm.xlane v3, v2  }
0xdb: {  	[tilespmem:s23], [sflag:$0x1] =	stream.indirect_vreg.gather [hbm4b:s5+s2], $0x80, v4, vm0, $0xb8;
	[tilespmem:$0x10080] =	vst v63  }
0xdc: {  	s26 =	simm.s32 $0x1080;
	v3 =	vadd.s32 v1, v3  }
0xdd: {  	[tilespmem:s26], [sflag:$0x1] =	stream.indirect_vreg.gather [hbm4b:s6+s2], $0x80, v4, vm0, $0xb8;
	[tilespmem:$0x10080] =	vst v63  }
0xde: {  	s30 =	simm.s32 $0x1880  }
0xdf: {  	[tilespmem:s30], [sflag:$0x1] =	stream.indirect_vreg.gather [hbm4b:s7+s2], $0x80, v4, vm0, $0xb8;
	[tilespmem:$0x10080] =	vst v63  }
0xe0: {  	s23 =	simm.s32 $0x2080  }
0xe1: {  	[tilespmem:s23], [sflag:$0x1] =	stream.indirect_vreg.gather [hbm4b:s3+s2], $0x80, v3, vm0, $0xb8;
	[tilespmem:$0x10080] =	vst v63  }
0xe2: {  	s30 =	simm.s32 $0x2880  }
0xe3: {  	[tilespmem:s30], [sflag:$0x1] =	stream.indirect_vreg.gather [hbm4b:s5+s2], $0x80, v3, vm0, $0xb8;
	[tilespmem:$0x10080] =	vst v63  }
0xe4: {  	s23 =	simm.s32 $0x3080  }
0xe5: {  	[tilespmem:s23], [sflag:$0x1] =	stream.indirect_vreg.gather [hbm4b:s6+s2], $0x80, v3, vm0, $0xb8;
	[tilespmem:$0x10080] =	vst v63  }
0xe6: {  	s30 =	simm.s32 $0x3880  }
0xe7: {  	[tilespmem:s30], [sflag:$0x1] =	stream.indirect_vreg.gather [hbm4b:s7+s2], $0x80, v3, vm0, $0xb8;
	[tilespmem:$0x10080] =	vst v63  }
0xe8: {  	v3 =	vld [tilespmem:$0x10];
	_ =	sdelay $0x4  }
0xe9: {  	v57 =	vshll.u32 v3, $0x3  }
0xea: {  	v3 =	vand.u32 $0x7, v3;
	v4 =	vand.u32 $0xFFFFFFC0, v57  }
0xeb: {  	v3 =	vor.u32 v3, v4  }
0xec: {  	v4 =	vperm.xlane v3, v0;
	_ =	sdelay $0x1  }
0xed: {  	v4 =	vadd.s32 v1, v4;
	_ =	sdelay $0x4  }
0xee: {  	[tilespmem:s16], [sflag:$0x1] =	stream.indirect_vreg.gather [hbm4b:s3+s2], $0x80, v4, vm0, $0xb8;
	[tilespmem:$0x10080] =	vst v63  }
0xef: {  	v3 =	vperm.xlane v3, v2  }
0xf0: {  	[tilespmem:s17], [sflag:$0x1] =	stream.indirect_vreg.gather [hbm4b:s5+s2], $0x80, v4, vm0, $0xb8;
	[tilespmem:$0x10080] =	vst v63  }
0xf1: {  	v3 =	vadd.s32 v1, v3  }
0xf2: {  	[tilespmem:s18], [sflag:$0x1] =	stream.indirect_vreg.gather [hbm4b:s6+s2], $0x80, v4, vm0, $0xb8;
	[tilespmem:$0x10080] =	vst v63  }
0xf3: {  	_ = 	snop  }
0xf4: {  	[tilespmem:s20], [sflag:$0x1] =	stream.indirect_vreg.gather [hbm4b:s7+s2], $0x80, v4, vm0, $0xb8;
	[tilespmem:$0x10080] =	vst v63  }
0xf5: {  	_ = 	snop  }
0xf6: {  	[tilespmem:s0], [sflag:$0x1] =	stream.indirect_vreg.gather [hbm4b:s3+s2], $0x80, v3, vm0, $0xb8;
	[tilespmem:$0x10080] =	vst v63  }
0xf7: {  	_ = 	snop  }
0xf8: {  	[tilespmem:s1], [sflag:$0x1] =	stream.indirect_vreg.gather [hbm4b:s5+s2], $0x80, v3, vm0, $0xb8;
	[tilespmem:$0x10080] =	vst v63  }
0xf9: {  	_ = 	snop  }
0xfa: {  	[tilespmem:s4], [sflag:$0x1] =	stream.indirect_vreg.gather [hbm4b:s6+s2], $0x80, v3, vm0, $0xb8;
	[tilespmem:$0x10080] =	vst v63  }
0xfb: {  	s23 =	simm.s32 $0x7880  }
0xfc: {  	[tilespmem:s23], [sflag:$0x1] =	stream.indirect_vreg.gather [hbm4b:s7+s2], $0x80, v3, vm0, $0xb8;
	[tilespmem:$0x10080] =	vst v63  }
0xfd: {  	v3 =	vld [tilespmem:$0x20];
	_ =	sdelay $0x4  }
0xfe: {  	v58 =	vshll.u32 v3, $0x3  }
0xff: {  	v3 =	vand.u32 $0x7, v3;
	v4 =	vand.u32 $0xFFFFFFC0, v58  }
0x100: {  	v3 =	vor.u32 v3, v4  }
0x101: {  	v4 =	vperm.xlane v3, v0;
	_ =	sdelay $0x1  }
0x102: {  	v4 =	vadd.s32 v1, v4;
	_ =	sdelay $0x4  }
0x103: {  	[tilespmem:s14], [sflag:$0x1] =	stream.indirect_vreg.gather [hbm4b:s3+s2], $0x80, v4, vm0, $0xb8;
	[tilespmem:$0x10080] =	vst v63  }
0x104: {  	v3 =	vperm.xlane v3, v2  }
0x105: {  	[tilespmem:s15], [sflag:$0x1] =	stream.indirect_vreg.gather [hbm4b:s5+s2], $0x80, v4, vm0, $0xb8;
	[tilespmem:$0x10080] =	vst v63  }
0x106: {  	v3 =	vadd.s32 v1, v3  }
0x107: {  	[tilespmem:s10], [sflag:$0x1] =	stream.indirect_vreg.gather [hbm4b:s6+s2], $0x80, v4, vm0, $0xb8;
	[tilespmem:$0x10080] =	vst v63  }
0x108: {  	_ = 	snop  }
0x109: {  	[tilespmem:s11], [sflag:$0x1] =	stream.indirect_vreg.gather [hbm4b:s7+s2], $0x80, v4, vm0, $0xb8;
	[tilespmem:$0x10080] =	vst v63  }
0x10a: {  	_ = 	snop  }
0x10b: {  	[tilespmem:s12], [sflag:$0x1] =	stream.indirect_vreg.gather [hbm4b:s3+s2], $0x80, v3, vm0, $0xb8;
	[tilespmem:$0x10080] =	vst v63  }
0x10c: {  	_ = 	snop  }
0x10d: {  	[tilespmem:s13], [sflag:$0x1] =	stream.indirect_vreg.gather [hbm4b:s5+s2], $0x80, v3, vm0, $0xb8;
	[tilespmem:$0x10080] =	vst v63  }
0x10e: {  	s28 =	simm.s32 $0xB080  }
0x10f: {  	[tilespmem:s28], [sflag:$0x1] =	stream.indirect_vreg.gather [hbm4b:s6+s2], $0x80, v3, vm0, $0xb8;
	[tilespmem:$0x10080] =	vst v63  }
0x110: {  	s24 =	simm.s32 $0xB880  }
0x111: {  	[tilespmem:s24], [sflag:$0x1] =	stream.indirect_vreg.gather [hbm4b:s7+s2], $0x80, v3, vm0, $0xb8;
	[tilespmem:$0x10080] =	vst v63  }
0x112: {  	v3 =	vld [tilespmem:$0x30];
	_ =	sdelay $0x4  }
0x113: {  	v59 =	vshll.u32 v3, $0x3  }
0x114: {  	v3 =	vand.u32 $0x7, v3;
	v4 =	vand.u32 $0xFFFFFFC0, v59  }
0x115: {  	v3 =	vor.u32 v3, v4  }
0x116: {  	v4 =	vperm.xlane v3, v0;
	_ =	sdelay $0x1  }
0x117: {  	v4 =	vadd.s32 v1, v4;
	_ =	sdelay $0x3  }
0x118: {  	s30 =	simm.s32 $0xC080  }
0x119: {  	[tilespmem:s30], [sflag:$0x1] =	stream.indirect_vreg.gather [hbm4b:s3+s2], $0x80, v4, vm0, $0xb8;
	[tilespmem:$0x10080] =	vst v63  }
0x11a: {  	s28 =	simm.s32 $0xC880;
	v3 =	vperm.xlane v3, v2  }
0x11b: {  	[tilespmem:s28], [sflag:$0x1] =	stream.indirect_vreg.gather [hbm4b:s5+s2], $0x80, v4, vm0, $0xb8;
	[tilespmem:$0x10080] =	vst v63  }
0x11c: {  	v3 =	vadd.s32 v1, v3;
	s28 =	simm.s32 $0xD080  }
0x11d: {  	[tilespmem:s28], [sflag:$0x1] =	stream.indirect_vreg.gather [hbm4b:s6+s2], $0x80, v4, vm0, $0xb8;
	[tilespmem:$0x10080] =	vst v63  }
0x11e: {  	s21 =	simm.s32 $0xD880  }
0x11f: {  	[tilespmem:s21], [sflag:$0x1] =	stream.indirect_vreg.gather [hbm4b:s7+s2], $0x80, v4, vm0, $0xb8;
	[tilespmem:$0x10080] =	vst v63  }
0x120: {  	s19 =	simm.s32 $0xE080  }
0x121: {  	[tilespmem:s19], [sflag:$0x1] =	stream.indirect_vreg.gather [hbm4b:s3+s2], $0x80, v3, vm0, $0xb8;
	[tilespmem:$0x10080] =	vst v63  }
0x122: {  	s22 =	simm.s32 $0xE880  }
0x123: {  	[tilespmem:s22], [sflag:$0x1] =	stream.indirect_vreg.gather [hbm4b:s5+s2], $0x80, v3, vm0, $0xb8;
	[tilespmem:$0x10080] =	vst v63  }
0x124: {  	s25 =	simm.s32 $0xF080  }
0x125: {  	[tilespmem:s25], [sflag:$0x1] =	stream.indirect_vreg.gather [hbm4b:s6+s2], $0x80, v3, vm0, $0xb8;
	[tilespmem:$0x10080] =	vst v63  }
0x126: {  	s19 =	simm.s32 $0xF880  }
0x127: {  	[tilespmem:s19], [sflag:$0x1] =	stream.indirect_vreg.gather [hbm4b:s7+s2], $0x80, v3, vm0, $0xb8;
	[tilespmem:$0x10080] =	vst v63  }
0x128: {  	_ =	swait.ge [sflag:s9], $0x10000  }
0x129: {  	[sflag:s9] =	ssyncset.done $0x0  }
0x12a: {  	s19 =	rddreg [dreg:$0x5];
	[sflag:s9] =	ssyncadd.s32 $0xFFFF0000  }
0x12b: {  	[hbm4b:s19+s2] =	stream.linear.scatter [tilespmem:s29], [sflag:$0x1], $0x10000, $0x38;
	[tilespmem:$0x10080] =	vst v63  }
0x12c: {  	_ =	swait.ge [sflag:s9], $0x10000  }
0x12d: {  	[sflag:s9] =	ssyncset.done $0x0  }
0x12e: {  	[sflag:s9] =	ssyncadd.s32 $0xFFFF0000  }
0x12f: {  	v3 =	vld [tilespmem:$0x40];
	_ =	sdelay $0x4  }
0x130: {  	v60 =	vshll.u32 v3, $0x3  }
0x131: {  	v3 =	vand.u32 $0x7, v3;
	v4 =	vand.u32 $0xFFFFFFC0, v60  }
0x132: {  	v3 =	vor.u32 v3, v4  }
0x133: {  	v4 =	vperm.xlane v3, v0;
	_ =	sdelay $0x1  }
0x134: {  	v4 =	vadd.s32 v1, v4;
	_ =	sdelay $0x4  }
0x135: {  	[tilespmem:s29], [sflag:$0x1] =	stream.indirect_vreg.gather [hbm4b:s3+s2], $0x80, v4, vm0, $0xb8;
	[tilespmem:$0x10080] =	vst v63  }
0x136: {  	s19 =	simm.s32 $0x880;
	v3 =	vperm.xlane v3, v2  }
0x137: {  	[tilespmem:s19], [sflag:$0x1] =	stream.indirect_vreg.gather [hbm4b:s5+s2], $0x80, v4, vm0, $0xb8;
	[tilespmem:$0x10080] =	vst v63  }
0x138: {  	s31 =	simm.s32 $0x1080;
	v3 =	vadd.s32 v1, v3  }
0x139: {  	[tilespmem:s31], [sflag:$0x1] =	stream.indirect_vreg.gather [hbm4b:s6+s2], $0x80, v4, vm0, $0xb8;
	[tilespmem:$0x10080] =	vst v63  }
0x13a: {  	s26 =	simm.s32 $0x1880  }
0x13b: {  	[tilespmem:s26], [sflag:$0x1] =	stream.indirect_vreg.gather [hbm4b:s7+s2], $0x80, v4, vm0, $0xb8;
	[tilespmem:$0x10080] =	vst v63  }
0x13c: {  	s26 =	simm.s32 $0x2080  }
0x13d: {  	[tilespmem:s26], [sflag:$0x1] =	stream.indirect_vreg.gather [hbm4b:s3+s2], $0x80, v3, vm0, $0xb8;
	[tilespmem:$0x10080] =	vst v63  }
0x13e: {  	s31 =	simm.s32 $0x2880  }
0x13f: {  	[tilespmem:s31], [sflag:$0x1] =	stream.indirect_vreg.gather [hbm4b:s5+s2], $0x80, v3, vm0, $0xb8;
	[tilespmem:$0x10080] =	vst v63  }
0x140: {  	s26 =	simm.s32 $0x3080  }
0x141: {  	[tilespmem:s26], [sflag:$0x1] =	stream.indirect_vreg.gather [hbm4b:s6+s2], $0x80, v3, vm0, $0xb8;
	[tilespmem:$0x10080] =	vst v63  }
0x142: {  	s31 =	simm.s32 $0x3880  }
0x143: {  	[tilespmem:s31], [sflag:$0x1] =	stream.indirect_vreg.gather [hbm4b:s7+s2], $0x80, v3, vm0, $0xb8;
	[tilespmem:$0x10080] =	vst v63  }
0x144: {  	v3 =	vld [tilespmem:$0x50];
	_ =	sdelay $0x4  }
0x145: {  	v61 =	vshll.u32 v3, $0x3  }
0x146: {  	v3 =	vand.u32 $0x7, v3;
	v4 =	vand.u32 $0xFFFFFFC0, v61  }
0x147: {  	v3 =	vor.u32 v3, v4  }
0x148: {  	v4 =	vperm.xlane v3, v0;
	_ =	sdelay $0x1  }
0x149: {  	v4 =	vadd.s32 v1, v4;
	_ =	sdelay $0x3  }
0x14a: {  	s16 =	simm.s32 $0x4080  }
0x14b: {  	[tilespmem:s16], [sflag:$0x1] =	stream.indirect_vreg.gather [hbm4b:s3+s2], $0x80, v4, vm0, $0xb8;
	[tilespmem:$0x10080] =	vst v63  }
0x14c: {  	s17 =	simm.s32 $0x4880;
	v3 =	vperm.xlane v3, v2  }
0x14d: {  	[tilespmem:s17], [sflag:$0x1] =	stream.indirect_vreg.gather [hbm4b:s5+s2], $0x80, v4, vm0, $0xb8;
	[tilespmem:$0x10080] =	vst v63  }
0x14e: {  	s18 =	simm.s32 $0x5080;
	v3 =	vadd.s32 v1, v3  }
0x14f: {  	[tilespmem:s18], [sflag:$0x1] =	stream.indirect_vreg.gather [hbm4b:s6+s2], $0x80, v4, vm0, $0xb8;
	[tilespmem:$0x10080] =	vst v63  }
0x150: {  	s20 =	simm.s32 $0x5880  }
0x151: {  	[tilespmem:s20], [sflag:$0x1] =	stream.indirect_vreg.gather [hbm4b:s7+s2], $0x80, v4, vm0, $0xb8;
	[tilespmem:$0x10080] =	vst v63  }
0x152: {  	s0 =	simm.s32 $0x6080  }
0x153: {  	[tilespmem:s0], [sflag:$0x1] =	stream.indirect_vreg.gather [hbm4b:s3+s2], $0x80, v3, vm0, $0xb8;
	[tilespmem:$0x10080] =	vst v63  }
0x154: {  	s1 =	simm.s32 $0x6880  }
0x155: {  	[tilespmem:s1], [sflag:$0x1] =	stream.indirect_vreg.gather [hbm4b:s5+s2], $0x80, v3, vm0, $0xb8;
	[tilespmem:$0x10080] =	vst v63  }
0x156: {  	s4 =	simm.s32 $0x7080  }
0x157: {  	[tilespmem:s4], [sflag:$0x1] =	stream.indirect_vreg.gather [hbm4b:s6+s2], $0x80, v3, vm0, $0xb8;
	[tilespmem:$0x10080] =	vst v63  }
0x158: {  	s20 =	simm.s32 $0x7880  }
0x159: {  	[tilespmem:s20], [sflag:$0x1] =	stream.indirect_vreg.gather [hbm4b:s7+s2], $0x80, v3, vm0, $0xb8;
	[tilespmem:$0x10080] =	vst v63  }
0x15a: {  	v3 =	vld [tilespmem:$0x60];
	_ =	sdelay $0x4  }
0x15b: {  	v62 =	vshll.u32 v3, $0x3  }
0x15c: {  	v3 =	vand.u32 $0x7, v3;
	v4 =	vand.u32 $0xFFFFFFC0, v62  }
0x15d: {  	v3 =	vor.u32 v3, v4  }
0x15e: {  	v4 =	vperm.xlane v3, v0;
	_ =	sdelay $0x1  }
0x15f: {  	v4 =	vadd.s32 v1, v4;
	_ =	sdelay $0x3  }
0x160: {  	s14 =	simm.s32 $0x8080  }
0x161: {  	[tilespmem:s14], [sflag:$0x1] =	stream.indirect_vreg.gather [hbm4b:s3+s2], $0x80, v4, vm0, $0xb8;
	[tilespmem:$0x10080] =	vst v63  }
0x162: {  	s15 =	simm.s32 $0x8880;
	v3 =	vperm.xlane v3, v2  }
0x163: {  	[tilespmem:s15], [sflag:$0x1] =	stream.indirect_vreg.gather [hbm4b:s5+s2], $0x80, v4, vm0, $0xb8;
	[tilespmem:$0x10080] =	vst v63  }
0x164: {  	s10 =	simm.s32 $0x9080;
	v3 =	vadd.s32 v1, v3  }
0x165: {  	[tilespmem:s10], [sflag:$0x1] =	stream.indirect_vreg.gather [hbm4b:s6+s2], $0x80, v4, vm0, $0xb8;
	[tilespmem:$0x10080] =	vst v63  }
0x166: {  	s11 =	simm.s32 $0x9880  }
0x167: {  	[tilespmem:s11], [sflag:$0x1] =	stream.indirect_vreg.gather [hbm4b:s7+s2], $0x80, v4, vm0, $0xb8;
	[tilespmem:$0x10080] =	vst v63  }
0x168: {  	s12 =	simm.s32 $0xA080  }
0x169: {  	[tilespmem:s12], [sflag:$0x1] =	stream.indirect_vreg.gather [hbm4b:s3+s2], $0x80, v3, vm0, $0xb8;
	[tilespmem:$0x10080] =	vst v63  }
0x16a: {  	s13 =	simm.s32 $0xA880  }
0x16b: {  	[tilespmem:s13], [sflag:$0x1] =	stream.indirect_vreg.gather [hbm4b:s5+s2], $0x80, v3, vm0, $0xb8;
	[tilespmem:$0x10080] =	vst v63  }
0x16c: {  	s23 =	simm.s32 $0xB080  }
0x16d: {  	[tilespmem:s23], [sflag:$0x1] =	stream.indirect_vreg.gather [hbm4b:s6+s2], $0x80, v3, vm0, $0xb8;
	[tilespmem:$0x10080] =	vst v63  }
0x16e: {  	s24 =	simm.s32 $0xB880  }
0x16f: {  	[tilespmem:s24], [sflag:$0x1] =	stream.indirect_vreg.gather [hbm4b:s7+s2], $0x80, v3, vm0, $0xb8;
	[tilespmem:$0x10080] =	vst v63  }
0x170: {  	v3 =	vld [tilespmem:$0x70];
	_ =	sdelay $0x4  }
0x171: {  	v63 =	vshll.u32 v3, $0x3  }
0x172: {  	v3 =	vand.u32 $0x7, v3;
	v4 =	vand.u32 $0xFFFFFFC0, v63  }
0x173: {  	v3 =	vor.u32 v3, v4  }
0x174: {  	v4 =	vperm.xlane v3, v0;
	_ =	sdelay $0x1  }
0x175: {  	v4 =	vadd.s32 v1, v4;
	_ =	sdelay $0x3  }
0x176: {  	s30 =	simm.s32 $0xC080  }
0x177: {  	[tilespmem:s30], [sflag:$0x1] =	stream.indirect_vreg.gather [hbm4b:s3+s2], $0x80, v4, vm0, $0xb8;
	[tilespmem:$0x10080] =	vst v63  }
0x178: {  	s26 =	simm.s32 $0xC880;
	v3 =	vperm.xlane v3, v2  }
0x179: {  	[tilespmem:s26], [sflag:$0x1] =	stream.indirect_vreg.gather [hbm4b:s5+s2], $0x80, v4, vm0, $0xb8;
	[tilespmem:$0x10080] =	vst v63  }
0x17a: {  	s28 =	simm.s32 $0xD080;
	v3 =	vadd.s32 v1, v3  }
0x17b: {  	[tilespmem:s28], [sflag:$0x1] =	stream.indirect_vreg.gather [hbm4b:s6+s2], $0x80, v4, vm0, $0xb8;
	[tilespmem:$0x10080] =	vst v63  }
0x17c: {  	s21 =	simm.s32 $0xD880  }
0x17d: {  	[tilespmem:s21], [sflag:$0x1] =	stream.indirect_vreg.gather [hbm4b:s7+s2], $0x80, v4, vm0, $0xb8;
	[tilespmem:$0x10080] =	vst v63  }
0x17e: {  	s28 =	simm.s32 $0xE080  }
0x17f: {  	[tilespmem:s28], [sflag:$0x1] =	stream.indirect_vreg.gather [hbm4b:s3+s2], $0x80, v3, vm0, $0xb8;
	[tilespmem:$0x10080] =	vst v63  }
0x180: {  	s22 =	simm.s32 $0xE880  }
0x181: {  	[tilespmem:s22], [sflag:$0x1] =	stream.indirect_vreg.gather [hbm4b:s5+s2], $0x80, v3, vm0, $0xb8;
	[tilespmem:$0x10080] =	vst v63  }
0x182: {  	s25 =	simm.s32 $0xF080  }
0x183: {  	[tilespmem:s25], [sflag:$0x1] =	stream.indirect_vreg.gather [hbm4b:s6+s2], $0x80, v3, vm0, $0xb8;
	[tilespmem:$0x10080] =	vst v63  }
0x184: {  	s30 =	simm.s32 $0xF880  }
0x185: {  	[tilespmem:s30], [sflag:$0x1] =	stream.indirect_vreg.gather [hbm4b:s7+s2], $0x80, v3, vm0, $0xb8;
	[tilespmem:$0x10080] =	vst v63  }
0x186: {  	_ =	swait.ge [sflag:s9], $0x10000  }
0x187: {  	p0 =	sne.s32 s8, $0x1;
	[sflag:s9] =	ssyncset.done $0x0  }
.Ltmp0:
0x188: {  	s31 =	rddreg [dreg:$0x6];
	[sflag:s9] =	ssyncadd.s32 $0xFFFF0000;
	(pc) =	sbr.rel @p0 .LBB2_1-.Ltmp0, $4  }
0x189: {  	[hbm4b:s31+s2] =	stream.linear.scatter [tilespmem:s29], [sflag:$0x1], $0x10000, $0x38;
	[tilespmem:$0x10080] =	vst v63  }
0x18a: {  	_ =	swait.ge [sflag:s9], $0x10000  }
0x18b: {  	[sflag:s9] =	ssyncset.done $0x0  }
0x18c: {  	s8 =	sadd.s32 $0xFFFFFFFF, s8;
	[sflag:s9] =	ssyncadd.s32 $0xFFFF0000  }
0x18d: {  	_ =	sfence.sel $0x180000  }
0x18e: {  	[bflag:$0x0] =	sbarrier.arrive $0xFFFF  }
0x18f: {  	_ =	strace $0x9000004A  }
0x190: {  	s0 =	stileid.u32;
	[bflag:$0x2] =	sbarrier.arrive $0xFFFF  }
0x191: {  	p0 =	sne.s32 s0, $0x0;
	s0 =	rddreg [dreg:$0x1]  }
0x192: {  	s0 =	sadd.s32 @!p0 $0x100000, s0  }
0x193: {  	[sflag:s0] =	ssyncadd.tile.s32 @!p0 $0x1;
	_ =	shalt  }
.Lfunc_end2:
_tile_overlayer_lowered:
.L_overlay_start_2:
0x194: {  	(tag) =	ssettag $0x2  }
0x195: {  	s0 =	rddreg [dreg:$0x0];
	s2 =	stileid.u32  }
0x196: {  	s1 =	rddreg [dreg:$0x1];
	p0 =	sne.s32 s2, $0x0  }
0x197: {  	s3 =	rddreg [dreg:$0x2];
	[bflag:$0x3] =	sbarrier.arrive $0xFFFF;
	s2 =	simm.s32 @!p0 $0x1C01  }
0x198: {  	[timem:s3], [sflag:s2] =	dma.local @!p0 [hbm:s0], s1  }
0x199: {  	s0 =	simm.s32 @!p0 $0x1  }
0x19a: {  	_ =	swait.ge @!p0 [sflag:s0], s1  }
0x19b: {  	s1 =	ssub.s32 @!p0 $0x0, s1;
	[sflag:s0] =	ssyncset.done @!p0 $0x0  }
0x19c: {  	[sflag:s0] =	ssyncadd.s32 @!p0 s1  }
0x19d: {  	[bflag:$0x3] =	sbarrier.arrive $0xFFFF  }
0x19e: {  	_ =	shalt  }

// kernel: kernel.7.cloned.1.call-start
scs
__scs_entry_jumppad:
0x0: {  	(pc) =	sbr.rel $0x88, $3  }
0x1: {  	(tag) =	ssettag $0x0;
	lr =	simm.s32 $0x1  }
0x2: {  	[smem:$0x3F9B] =	sst lr;
	_ =	strace $0xD0000000  }
0x3: {  	_ = 	snop  }
0x4: {  	_ = 	snop  }
0x5: {  	_ = 	snop  }
0x6: {  	_ = 	snop  }
0x7: {  	_ = 	snop  }
__scs_overlays_trampoline_lowered:
0x8: {  	[smem:$0x3FAA] =	sst s0  }
0x9: {  	[smem:$0x3FAB] =	sst s1  }
0xa: {  	[smem:$0x3FAC] =	sst s2  }
0xb: {  	[smem:$0x3FAD] =	sst s3  }
0xc: {  	[smem:$0x3FAE] =	sst s4  }
0xd: {  	[smem:$0x3FAF] =	sst s5  }
0xe: {  	[smem:$0x3FB0] =	sst s6  }
0xf: {  	[smem:$0x3FB1] =	sst s7  }
0x10: {  	[smem:$0x3FB2] =	sst s8  }
0x11: {  	[smem:$0x3FB3] =	sst s9;
	s0 =	simm.s32 @!p0 $0x0  }
0x12: {  	s1 =	sld [smem:$0x3F99];
	s0 =	simm.s32 @p0 $0x1  }
0x13: {  	[smem:$0x3FB4] =	sst s0;
	s0 =	simm.s32 @!p1 $0x0  }
0x14: {  	s2 =	sld [smem:$0x3F98];
	s0 =	simm.s32 @p1 $0x1  }
0x15: {  	[smem:$0x3FB5] =	sst s0;
	s0 =	simm.s32 @!p2 $0x0  }
0x16: {  	s3 =	sld [smem:$0x3FDB];
	s0 =	simm.s32 @p2 $0x1  }
0x17: {  	s4 =	simm.s32 $0x1BF5;
	[smem:$0x3FB7] =	sst s0  }
0x18: {  	s0 =	sld [smem:$0x3F9A];
	_ =	swait.ge [sflag:s4], $0x0  }
0x19: {  	s7 =	sld [smem:$0x3F9B]  }
0x1a: {  	s8 =	sadd.s32 $0xFFFFE003, lr  }
0x1b: {  	s9 =	sadd.s32 $0xFFFFFEF7, lr;
	s5 =	simm.s32 $0xFFFFFFFF;
	p2 =	slt.u32 s8, $0xFFFFF086  }
0x1c: {  	p1 =	slt.u32 s9, $0xF7A;
	s5 =	simm.s32 @!p2 $0x0  }
0x1d: {  	s5 =	simm.s32 @p1 $0x1;
	p0 =	seq.s32 s7, s2  }
0x1e: {  	s7 =	smul.u32 @!p0 $0xF7A, s2;
	p2 =	seq.s32 @!p0 s5, $0x0  }
0x1f: {  	s9 =	smul.u32 $0xF7A, s1;
	s8 =	simm.s32 @!p0 $0x1BF5;
	p2 =	por !p2, p0  }
0x20: {  	[sflag:s8] =	ssyncset.s32 @!p0 $0xFFFFF086;
	s6 =	sadd.s32 @!p0 s3, s7;
	s7 =	simm.s32 @!p0 $0x108  }
0x21: {  	s3 =	sadd.s32 s3, s9;
	s6 =	sadd.s32 @!p0 $0x88, s6;
	s7 =	simm.s32 @p2 $0x1082  }
0x22: {  	[simem:s7], [sflag:s8] =	dma.local @!p0 [hbm:s6], $0xF7A  }
0x23: {  	s9 =	sor.u32 $0xD0000000, s2;
	s6 =	simm.s32 $0x108;
	_ =	swait.ge @!p0 [sflag:s8], $0x0  }
0x24: {  	s3 =	sadd.s32 $0x88, s3;
	s6 =	simm.s32 @!p1 $0x1082;
	[sflag:s4] =	ssyncset.s32 $0xFFFFF086  }
0x25: {  	[simem:s6], [sflag:s4] =	dma.local [hbm:s3], $0xF7A  }
0x26: {  	[smem:$0x3F9B] =	sst s1;
	(tag) =	ssettag s2;
	_ =	strace s9  }
0x27: {  	s1 =	sld [smem:$0x3FAB]  }
0x28: {  	s2 =	sld [smem:$0x3FAC]  }
0x29: {  	s4 =	sld [smem:$0x3FAE]  }
0x2a: {  	p0 =	seq.s32 s5, $0x0;
	s5 =	sld [smem:$0x3FAF]  }
0x2b: {  	s6 =	sld [smem:$0x3FB0]  }
0x2c: {  	s7 =	sld [smem:$0x3FB1]  }
0x2d: {  	s3 =	simm.s32 $0x108;
	s8 =	sld [smem:$0x3FB2]  }
0x2e: {  	s3 =	simm.s32 @!p0 $0x1082;
	s9 =	sld [smem:$0x3FB3]  }
0x2f: {  	lr =	sadd.s32 s0, s3;
	s0 =	sld [smem:$0x3FAA]  }
0x30: {  	s3 =	sld [smem:$0x3FAD]  }
0x31: {  	[smem:$0x3FB6] =	sst s10  }
0x32: {  	s10 =	sld [smem:$0x3FB4];
	_ =	sdelay $0x3  }
0x33: {  	p0 =	seq.s32 s10, $0x1;
	s10 =	sld [smem:$0x3FB6];
	_ =	sdelay $0x3  }
0x34: {  	[smem:$0x3FB6] =	sst s10  }
0x35: {  	s10 =	sld [smem:$0x3FB5];
	_ =	sdelay $0x3  }
0x36: {  	p1 =	seq.s32 s10, $0x1;
	s10 =	sld [smem:$0x3FB6];
	_ =	sdelay $0x3  }
0x37: {  	[smem:$0x3FB6] =	sst s10  }
0x38: {  	s10 =	sld [smem:$0x3FB7]  }
0x39: {  	_ = 	snop;
	(pc) =	sbr.ind lr, $3  }
0x3a: {  	_ = 	snop  }
0x3b: {  	_ = 	snop  }
0x3c: {  	p2 =	seq.s32 s10, $0x1;
	s10 =	sld [smem:$0x3FB6]  }
0x3d: {  	_ =	shalt  }
0x3e: {  	_ =	shalt  }
0x3f: {  	_ =	shalt  }
0x40: {  	_ =	shalt  }
0x41: {  	_ =	shalt  }
0x42: {  	_ =	shalt  }
0x43: {  	_ =	shalt  }
0x44: {  	_ =	shalt  }
0x45: {  	_ =	shalt  }
0x46: {  	_ =	shalt  }
0x47: {  	_ =	shalt  }
0x48: {  	_ =	shalt  }
0x49: {  	_ =	shalt  }
0x4a: {  	_ =	shalt  }
0x4b: {  	_ =	shalt  }
0x4c: {  	_ =	shalt  }
0x4d: {  	_ =	shalt  }
0x4e: {  	_ =	shalt  }
0x4f: {  	_ =	shalt  }
0x50: {  	_ =	shalt  }
0x51: {  	_ =	shalt  }
0x52: {  	_ =	shalt  }
0x53: {  	_ =	shalt  }
0x54: {  	_ =	shalt  }
0x55: {  	_ =	shalt  }
0x56: {  	_ =	shalt  }
0x57: {  	_ =	shalt  }
0x58: {  	_ =	shalt  }
0x59: {  	_ =	shalt  }
0x5a: {  	_ =	shalt  }
0x5b: {  	_ =	shalt  }
0x5c: {  	_ =	shalt  }
0x5d: {  	_ =	shalt  }
0x5e: {  	_ =	shalt  }
0x5f: {  	_ =	shalt  }
0x60: {  	_ =	shalt  }
0x61: {  	_ =	shalt  }
0x62: {  	_ =	shalt  }
0x63: {  	_ =	shalt  }
0x64: {  	_ =	shalt  }
0x65: {  	_ =	shalt  }
0x66: {  	_ =	shalt  }
0x67: {  	_ =	shalt  }
0x68: {  	_ =	shalt  }
0x69: {  	_ =	shalt  }
0x6a: {  	_ =	shalt  }
0x6b: {  	_ =	shalt  }
0x6c: {  	_ =	shalt  }
0x6d: {  	_ =	shalt  }
0x6e: {  	_ =	shalt  }
0x6f: {  	_ =	shalt  }
0x70: {  	_ =	shalt  }
0x71: {  	_ =	shalt  }
0x72: {  	_ =	shalt  }
0x73: {  	_ =	shalt  }
0x74: {  	_ =	shalt  }
0x75: {  	_ =	shalt  }
0x76: {  	_ =	shalt  }
0x77: {  	_ =	shalt  }
0x78: {  	_ =	shalt  }
0x79: {  	_ =	shalt  }
0x7a: {  	_ =	shalt  }
0x7b: {  	_ =	shalt  }
0x7c: {  	_ =	shalt  }
0x7d: {  	_ =	shalt  }
0x7e: {  	_ =	shalt  }
0x7f: {  	_ =	shalt  }
0x80: {  	_ =	shalt  }
0x81: {  	_ =	shalt  }
0x82: {  	_ =	shalt  }
0x83: {  	_ =	shalt  }
0x84: {  	_ =	shalt  }
0x85: {  	_ =	shalt  }
0x86: {  	_ =	shalt  }
0x87: {  	_ =	shalt  }
.Lfunc_end0:
.L_simem_size_0:
called_computation_lowered:
.L_overlay_start_0:
0x88: {  	s2 =	sld [smem:$0x3FD9]  }
0x89: {  	s3 =	sld [smem:$0x3FFE];
	_ =	sdelay $0x1  }
0x8a: {  	s1 =	srdreg.scid  }
0x8b: {  	s0 =	sand.u32 $0x1, s1  }
0x8c: {  	s17 =	sshll.u32 s0, $0xA;
	s2 =	sadd.s32 s3, s2  }
0x8d: {  	s2 =	sadd.s32 s2, s17  }
0x8e: {  	[smem:$0x3FC2] =	sst s2  }
0x8f: {  	_ = 	snop  }
0x90: {  	s2 =	sld [smem:$0x3FC9];
	(tm) =	ssettm $0x1  }
0x91: {  	s18 =	sld [smem:$0x3FFB];
	_ =	sdelay $0x3  }
0x92: {  	_ =	strace s18  }
0x93: {  	s3 =	sld [smem:$0x3FFC];
	_ =	sdelay $0x3  }
0x94: {  	_ =	strace s3  }
0x95: {  	s3 =	sld [smem:$0x3FFD];
	_ =	sdelay $0x3  }
0x96: {  	_ =	strace s3  }
0x97: {  	_ =	strace $0x8FFFFFFF  }
0x98: {  	s19 =	sld [smem:$0x3FDB];
	_ =	sdelay $0x1  }
0x99: {  	s4 =	simm.s32 $_scs_section_size  }
0x9a: {  	s5 =	simm.s32 $_size__tile_overlayer_lowered;
	s6 =	simm.s32 $_tile_overlayer_lowered  }
0x9b: {  	s22 =	simm.s32 $0x1BFF;
	s21 =	sshll.u32 s6, $0x1;
	s3 =	sadd.s32 s4, s19  }
0x9c: {  	s7 =	simm.s32 $0x0;
	s20 =	sshll.u32 s5, $0x1;
	s5 =	sadd.s32 s21, s3  }
0x9d: {  	[timem:s7], [sflag:s22] =	dma.local [hbm:s5], s20  }
0x9e: {  	_ =	swait.ge [sflag:s22], s20  }
0x9f: {  	s4 =	ssub.s32 $0x0, s20;
	[sflag:s22] =	ssyncset.done $0x0  }
0xa0: {  	[sflag:s22] =	ssyncadd.s32 s4;
	_ =	sdelay $0x1  }
0xa1: {  	s23 =	simm.s32 $0x1B8B  }
0xa2: {  	_ =	swait.ge [sflag:s23], $0x1  }
0xa3: {  	[sflag:s23] =	ssyncset.done $0x0  }
0xa4: {  	s25 =	simm.s32 $0x1B8E;
	s24 =	sld [smem:$0x3FFE];
	[sflag:s23] =	ssyncadd.s32 $0xFFFFFFFF  }
0xa5: {  	s26 =	simm.s32 $execute0_lowered;
	[smem:$0x3FD2] =	sst s25  }
0xa6: {  	s5 =	sshll.u32 s26, $0x1;
	_ =	strace $0x80000046;
	[dreg:$0x1] =	wrdreg $0xFFFFFFFF  }
0xa7: {  	s28 =	simm.s32 $_size_execute0_lowered;
	s3 =	sadd.s32 s3, s5;
	[dreg:$0x0] =	wrdreg $0x0  }
0xa8: {  	s5 =	sshll.u32 s28, $0x1;
	[dreg:$0x2] =	wrdreg s3  }
0xa9: {  	[dreg:$0x3] =	wrdreg s5  }
0xaa: {  	[dreg:$0x4] =	wrdreg $0xC0  }
0xab: {  	_ =	task [dreg:s7], $0x5FFFF  }
0xac: {  	[dreg:$0x1] =	wrdreg $0xFFFFFFFF  }
0xad: {  	[dreg:$0x0] =	wrdreg $0x60  }
0xae: {  	[dreg:$0x2] =	wrdreg s2  }
0xaf: {  	[dreg:$0x3] =	wrdreg s24  }
0xb0: {  	[dreg:$0x4] =	wrdreg $0x9  }
0xb1: {  	_ =	task.clear_ibuf [dreg:s7], $0x5FFFF;
	_ =	strace $0x90000046  }
0xb2: {  	s29 =	simm.s32 $0x9;
	_ =	strace $0x80000048  }
0xb3: {  	_ =	swait.ge [sflag:s29], $0x1  }
0xb4: {  	[sflag:s29] =	ssyncadd.s32 $0xFFFFFFFF  }
0xb5: {  	_ =	strace $0x90000048  }
0xb6: {  	_ =	sfence  }
0xb7: {  	s30 =	sld [smem:$0x0];
	_ =	sdelay $0x2  }
0xb8: {  	s31 =	sshll.u32 s1, $0xD;
	s1 =	sshrl.u32 s1, $0x2  }
0xb9: {  	s3 =	sand.u32 $0x4000, s31;
	s1 =	sadd.s32 s1, s30  }
0xba: {  	s0 =	sor.u32 s3, s0;
	s1 =	sshll.u32 s1, $0x11  }
0xbb: {  	s0 =	sor.u32 s1, s0  }
0xbc: {  	s0 =	sadd.s32 $0x8F2B, s0  }
0xbd: {  	[sflag:s0] =	ssyncadd.remote.s32 $0x1  }
0xbe: {  	_ =	sfence.sel $0xFFFF  }
0xbf: {  	[dreg:$0x0] =	wrdreg $0xFFFFFFFF;
	(pc) =	sbr.abs _section_cstart, $3  }
0xc0: {  	[dreg:$0x1] =	wrdreg $0xFFFFFFFF  }
0xc1: {  	_ =	task.clear_ibuf [dreg:s7], $0x2FFFF;
	_ =	strace $0x9FFFFFFF  }
0xc2: {  	(tm) =	ssettm $0x7FFFFFFF  }
0xc3: {  	_ =	shalt  }
tec
execute0_lowered:
.L_overlay_start_1:
0x0: {  	(tag) =	ssettag $0x1  }
0x1: {  	s0 =	rddreg [dreg:$0x0]  }
0x2: {  	s1 =	rddreg [dreg:$0x1];
	s3 =	srdreg.scid  }
0x3: {  	s2 =	simm.s32 $0x0;
	s5 =	stileid.u32;
	s10 =	simm.s32 $0x1  }
0x4: {  	s31 =	simm.s32 $0x80;
	s26 =	simm.s32 $0x100;
	s4 =	sand.u32 $0x1, s3  }
0x5: {  	[smem:$0x7FF] =	sst s2;
	s29 =	sshll.u32 s5, $0x8;
	s30 =	sshll.u32 s4, $0x7  }
0x6: {  	s3 =	sadd.s32 $0x400, s1;
	s8 =	sadd.s32 $0x700, s1;
	s5 =	sor.u32 s30, s29  }
0x7: {  	_ =	strace $0x80000047;
	s4 =	ssub.s32 $0x2, s4;
	s6 =	sshrl.u32 s5, $0x3  }
0x8: {  	[dreg:$0x5] =	wrdreg s31;
	s5 =	sshll.u32 s5, $0x7;
	s6 =	sadd.s32 s1, s6  }
0x9: {  	s7 =	sshrl.u32 s4, $0x1;
	s0 =	sadd.s32 s0, s5;
	[dreg:$0x6] =	wrdreg s6  }
0xa: {  	v2 =	vlaneseq.u32;
	s4 =	ssub.s32 s4, s7;
	s6 =	sadd.s32 $0x200, s6;
	[dreg:$0x7] =	wrdreg s0  }
0xb: {  	vm0 =	vmmov $0xffff;
	v1 =	vshrl.u32 v2, $0x3;
	s7 =	sadd.s32 $0x600, s1;
	s0 =	sadd.s32 $0x2000, s0;
	[dreg:$0x3] =	wrdreg s6  }
0xc: {  	v0 =	vand.u32 $0x7, v2;
	v2 =	vor.u32 $0x8, v2;
	v1 =	vmul.u32 $0x8, v1;
	s9 =	smax.u32 s4, $0x1;
	s6 =	sadd.s32 $0x500, s1;
	[dreg:$0x4] =	wrdreg s0  }
.LBB2_1:
0xd: {  	s20 =	rddreg [dreg:$0x6]  }
0xe: {  	[tilespmem:s2], [sflag:$0x1] =	stream.linear.gather [hbm4b:s20+s2], $0x80, $0x38;
	[tilespmem:$0x10100] =	vst v63  }
0xf: {  	_ =	swait.ge [sflag:s10], $0x80  }
0x10: {  	s22 =	rddreg [dreg:$0x3];
	[sflag:s10] =	ssyncset.done $0x0  }
0x11: {  	s21 =	rddreg [dreg:$0x5];
	[sflag:s10] =	ssyncadd.s32 $0xFFFFFF80  }
0x12: {  	[tilespmem:s21], [sflag:$0x1] =	stream.linear.gather [hbm4b:s22+s2], $0x80, $0x38;
	[tilespmem:$0x10100] =	vst v63  }
0x13: {  	_ =	swait.ge [sflag:s10], $0x80  }
0x14: {  	[sflag:s10] =	ssyncset.done $0x0  }
0x15: {  	s23 =	rddreg [dreg:$0x7];
	[sflag:s10] =	ssyncadd.s32 $0xFFFFFF80  }
0x16: {  	[tilespmem:s26], [sflag:$0x1] =	stream.linear.gather [hbm4b:s23+s2], $0x10000, $0x38;
	[tilespmem:$0x10100] =	vst v63  }
0x17: {  	_ =	swait.ge [sflag:s10], $0x10000  }
0x18: {  	[sflag:s10] =	ssyncset.done $0x0  }
0x19: {  	[sflag:s10] =	ssyncadd.s32 $0xFFFF0000  }
0x1a: {  	v3 =	vld [tilespmem:$0x0];
	_ =	sdelay $0x4  }
0x1b: {  	v4 =	vshll.u32 v3, $0x3  }
0x1c: {  	v3 =	vand.u32 $0x7, v3;
	v4 =	vand.u32 $0xFFFFFFC0, v4  }
0x1d: {  	v3 =	vor.u32 v3, v4  }
0x1e: {  	v4 =	vperm.xlane v3, v0;
	_ =	sdelay $0x1  }
0x1f: {  	v4 =	vadd.s32 v1, v4;
	_ =	sdelay $0x4  }
0x20: {  	[hbm4b:s3+s2] =	stream.indirect_vreg.scatter [tilespmem:s26], [sflag:$0x1], $0x80, v4, vm0, $0xb8;
	[tilespmem:$0x10100] =	vst v63  }
0x21: {  	s0 =	simm.s32 $0x900;
	v3 =	vperm.xlane v3, v2  }
0x22: {  	[hbm4b:s6+s2] =	stream.indirect_vreg.scatter [tilespmem:s0], [sflag:$0x1], $0x80, v4, vm0, $0xb8;
	[tilespmem:$0x10100] =	vst v63  }
0x23: {  	s24 =	simm.s32 $0x1100;
	v3 =	vadd.s32 v1, v3  }
0x24: {  	[hbm4b:s7+s2] =	stream.indirect_vreg.scatter [tilespmem:s24], [sflag:$0x1], $0x80, v4, vm0, $0xb8;
	[tilespmem:$0x10100] =	vst v63  }
0x25: {  	s25 =	simm.s32 $0x1900  }
0x26: {  	[hbm4b:s8+s2] =	stream.indirect_vreg.scatter [tilespmem:s25], [sflag:$0x1], $0x80, v4, vm0, $0xb8;
	[tilespmem:$0x10100] =	vst v63  }
0x27: {  	s28 =	simm.s32 $0x2100  }
0x28: {  	[hbm4b:s3+s2] =	stream.indirect_vreg.scatter [tilespmem:s28], [sflag:$0x1], $0x80, v3, vm0, $0xb8;
	[tilespmem:$0x10100] =	vst v63  }
0x29: {  	s29 =	simm.s32 $0x2900  }
0x2a: {  	[hbm4b:s6+s2] =	stream.indirect_vreg.scatter [tilespmem:s29], [sflag:$0x1], $0x80, v3, vm0, $0xb8;
	[tilespmem:$0x10100] =	vst v63  }
0x2b: {  	s30 =	simm.s32 $0x3100  }
0x2c: {  	[hbm4b:s7+s2] =	stream.indirect_vreg.scatter [tilespmem:s30], [sflag:$0x1], $0x80, v3, vm0, $0xb8;
	[tilespmem:$0x10100] =	vst v63  }
0x2d: {  	s31 =	simm.s32 $0x3900  }
0x2e: {  	[hbm4b:s8+s2] =	stream.indirect_vreg.scatter [tilespmem:s31], [sflag:$0x1], $0x80, v3, vm0, $0xb8;
	[tilespmem:$0x10100] =	vst v63  }
0x2f: {  	v3 =	vld [tilespmem:$0x10];
	_ =	sdelay $0x4  }
0x30: {  	v49 =	vshll.u32 v3, $0x3  }
0x31: {  	v3 =	vand.u32 $0x7, v3;
	v4 =	vand.u32 $0xFFFFFFC0, v49  }
0x32: {  	v3 =	vor.u32 v3, v4  }
0x33: {  	v4 =	vperm.xlane v3, v0;
	_ =	sdelay $0x1  }
0x34: {  	v4 =	vadd.s32 v1, v4;
	_ =	sdelay $0x3  }
0x35: {  	s1 =	simm.s32 $0x4100  }
0x36: {  	[hbm4b:s3+s2] =	stream.indirect_vreg.scatter [tilespmem:s1], [sflag:$0x1], $0x80, v4, vm0, $0xb8;
	[tilespmem:$0x10100] =	vst v63  }
0x37: {  	s4 =	simm.s32 $0x4900;
	v3 =	vperm.xlane v3, v2  }
0x38: {  	[hbm4b:s6+s2] =	stream.indirect_vreg.scatter [tilespmem:s4], [sflag:$0x1], $0x80, v4, vm0, $0xb8;
	[tilespmem:$0x10100] =	vst v63  }
0x39: {  	s5 =	simm.s32 $0x5100;
	v3 =	vadd.s32 v1, v3  }
0x3a: {  	[hbm4b:s7+s2] =	stream.indirect_vreg.scatter [tilespmem:s5], [sflag:$0x1], $0x80, v4, vm0, $0xb8;
	[tilespmem:$0x10100] =	vst v63  }
0x3b: {  	s1 =	simm.s32 $0x5900  }
0x3c: {  	[hbm4b:s8+s2] =	stream.indirect_vreg.scatter [tilespmem:s1], [sflag:$0x1], $0x80, v4, vm0, $0xb8;
	[tilespmem:$0x10100] =	vst v63  }
0x3d: {  	s4 =	simm.s32 $0x6100  }
0x3e: {  	[hbm4b:s3+s2] =	stream.indirect_vreg.scatter [tilespmem:s4], [sflag:$0x1], $0x80, v3, vm0, $0xb8;
	[tilespmem:$0x10100] =	vst v63  }
0x3f: {  	s13 =	simm.s32 $0x6900  }
0x40: {  	[hbm4b:s6+s2] =	stream.indirect_vreg.scatter [tilespmem:s13], [sflag:$0x1], $0x80, v3, vm0, $0xb8;
	[tilespmem:$0x10100] =	vst v63  }
0x41: {  	s14 =	simm.s32 $0x7100  }
0x42: {  	[hbm4b:s7+s2] =	stream.indirect_vreg.scatter [tilespmem:s14], [sflag:$0x1], $0x80, v3, vm0, $0xb8;
	[tilespmem:$0x10100] =	vst v63  }
0x43: {  	s16 =	simm.s32 $0x7900  }
0x44: {  	[hbm4b:s8+s2] =	stream.indirect_vreg.scatter [tilespmem:s16], [sflag:$0x1], $0x80, v3, vm0, $0xb8;
	[tilespmem:$0x10100] =	vst v63  }
0x45: {  	v3 =	vld [tilespmem:$0x20];
	_ =	sdelay $0x4  }
0x46: {  	v50 =	vshll.u32 v3, $0x3  }
0x47: {  	v3 =	vand.u32 $0x7, v3;
	v4 =	vand.u32 $0xFFFFFFC0, v50  }
0x48: {  	v3 =	vor.u32 v3, v4  }
0x49: {  	v4 =	vperm.xlane v3, v0;
	_ =	sdelay $0x1  }
0x4a: {  	v4 =	vadd.s32 v1, v4;
	_ =	sdelay $0x3  }
0x4b: {  	s19 =	simm.s32 $0x8100  }
0x4c: {  	[hbm4b:s3+s2] =	stream.indirect_vreg.scatter [tilespmem:s19], [sflag:$0x1], $0x80, v4, vm0, $0xb8;
	[tilespmem:$0x10100] =	vst v63  }
0x4d: {  	s20 =	simm.s32 $0x8900;
	v3 =	vperm.xlane v3, v2  }
0x4e: {  	[hbm4b:s6+s2] =	stream.indirect_vreg.scatter [tilespmem:s20], [sflag:$0x1], $0x80, v4, vm0, $0xb8;
	[tilespmem:$0x10100] =	vst v63  }
0x4f: {  	s22 =	simm.s32 $0x9100;
	v3 =	vadd.s32 v1, v3  }
0x50: {  	[hbm4b:s7+s2] =	stream.indirect_vreg.scatter [tilespmem:s22], [sflag:$0x1], $0x80, v4, vm0, $0xb8;
	[tilespmem:$0x10100] =	vst v63  }
0x51: {  	s23 =	simm.s32 $0x9900  }
0x52: {  	[hbm4b:s8+s2] =	stream.indirect_vreg.scatter [tilespmem:s23], [sflag:$0x1], $0x80, v4, vm0, $0xb8;
	[tilespmem:$0x10100] =	vst v63  }
0x53: {  	s24 =	simm.s32 $0xA100  }
0x54: {  	[hbm4b:s3+s2] =	stream.indirect_vreg.scatter [tilespmem:s24], [sflag:$0x1], $0x80, v3, vm0, $0xb8;
	[tilespmem:$0x10100] =	vst v63  }
0x55: {  	s25 =	simm.s32 $0xA900  }
0x56: {  	[hbm4b:s6+s2] =	stream.indirect_vreg.scatter [tilespmem:s25], [sflag:$0x1], $0x80, v3, vm0, $0xb8;
	[tilespmem:$0x10100] =	vst v63  }
0x57: {  	s28 =	simm.s32 $0xB100  }
0x58: {  	[hbm4b:s7+s2] =	stream.indirect_vreg.scatter [tilespmem:s28], [sflag:$0x1], $0x80, v3, vm0, $0xb8;
	[tilespmem:$0x10100] =	vst v63  }
0x59: {  	s1 =	simm.s32 $0xB900  }
0x5a: {  	[hbm4b:s8+s2] =	stream.indirect_vreg.scatter [tilespmem:s1], [sflag:$0x1], $0x80, v3, vm0, $0xb8;
	[tilespmem:$0x10100] =	vst v63  }
0x5b: {  	v3 =	vld [tilespmem:$0x30];
	_ =	sdelay $0x4  }
0x5c: {  	v51 =	vshll.u32 v3, $0x3  }
0x5d: {  	v3 =	vand.u32 $0x7, v3;
	v4 =	vand.u32 $0xFFFFFFC0, v51  }
0x5e: {  	v3 =	vor.u32 v3, v4  }
0x5f: {  	v4 =	vperm.xlane v3, v0;
	_ =	sdelay $0x1  }
0x60: {  	v4 =	vadd.s32 v1, v4;
	_ =	sdelay $0x3  }
0x61: {  	s4 =	simm.s32 $0xC100  }
0x62: {  	[hbm4b:s3+s2] =	stream.indirect_vreg.scatter [tilespmem:s4], [sflag:$0x1], $0x80, v4, vm0, $0xb8;
	[tilespmem:$0x10100] =	vst v63  }
0x63: {  	s16 =	simm.s32 $0xC900;
	v3 =	vperm.xlane v3, v2  }
0x64: {  	[hbm4b:s6+s2] =	stream.indirect_vreg.scatter [tilespmem:s16], [sflag:$0x1], $0x80, v4, vm0, $0xb8;
	[tilespmem:$0x10100] =	vst v63  }
0x65: {  	s22 =	simm.s32 $0xD100;
	v3 =	vadd.s32 v1, v3  }
0x66: {  	[hbm4b:s7+s2] =	stream.indirect_vreg.scatter [tilespmem:s22], [sflag:$0x1], $0x80, v4, vm0, $0xb8;
	[tilespmem:$0x10100] =	vst v63  }
0x67: {  	s23 =	simm.s32 $0xD900  }
0x68: {  	[hbm4b:s8+s2] =	stream.indirect_vreg.scatter [tilespmem:s23], [sflag:$0x1], $0x80, v4, vm0, $0xb8;
	[tilespmem:$0x10100] =	vst v63  }
0x69: {  	s24 =	simm.s32 $0xE100  }
0x6a: {  	[hbm4b:s3+s2] =	stream.indirect_vreg.scatter [tilespmem:s24], [sflag:$0x1], $0x80, v3, vm0, $0xb8;
	[tilespmem:$0x10100] =	vst v63  }
0x6b: {  	s25 =	simm.s32 $0xE900  }
0x6c: {  	[hbm4b:s6+s2] =	stream.indirect_vreg.scatter [tilespmem:s25], [sflag:$0x1], $0x80, v3, vm0, $0xb8;
	[tilespmem:$0x10100] =	vst v63  }
0x6d: {  	s0 =	simm.s32 $0xF100  }
0x6e: {  	[hbm4b:s7+s2] =	stream.indirect_vreg.scatter [tilespmem:s0], [sflag:$0x1], $0x80, v3, vm0, $0xb8;
	[tilespmem:$0x10100] =	vst v63  }
0x6f: {  	s4 =	simm.s32 $0xF900  }
0x70: {  	[hbm4b:s8+s2] =	stream.indirect_vreg.scatter [tilespmem:s4], [sflag:$0x1], $0x80, v3, vm0, $0xb8;
	[tilespmem:$0x10100] =	vst v63  }
0x71: {  	_ =	swait.ge [sflag:s10], $0x10000  }
0x72: {  	[sflag:s10] =	ssyncset.done $0x0  }
0x73: {  	[sflag:s10] =	ssyncadd.s32 $0xFFFF0000  }
0x74: {  	v3 =	vld [tilespmem:$0x80];
	_ =	sdelay $0x4  }
0x75: {  	v52 =	vshll.u32 v3, $0x3  }
0x76: {  	v3 =	vand.u32 $0x7, v3;
	v4 =	vand.u32 $0xFFFFFFC0, v52  }
0x77: {  	v3 =	vor.u32 v3, v4  }
0x78: {  	v4 =	vperm.xlane v3, v0;
	_ =	sdelay $0x1  }
0x79: {  	v4 =	vadd.s32 v1, v4;
	_ =	sdelay $0x4  }
0x7a: {  	[hbm4b:s3+s2] =	stream.indirect_vreg.scatter [tilespmem:s26], [sflag:$0x1], $0x80, v4, vm0, $0xb8;
	[tilespmem:$0x10100] =	vst v63  }
0x7b: {  	s16 =	simm.s32 $0x900;
	v3 =	vperm.xlane v3, v2  }
0x7c: {  	[hbm4b:s6+s2] =	stream.indirect_vreg.scatter [tilespmem:s16], [sflag:$0x1], $0x80, v4, vm0, $0xb8;
	[tilespmem:$0x10100] =	vst v63  }
0x7d: {  	s21 =	simm.s32 $0x1100;
	v3 =	vadd.s32 v1, v3  }
0x7e: {  	[hbm4b:s7+s2] =	stream.indirect_vreg.scatter [tilespmem:s21], [sflag:$0x1], $0x80, v4, vm0, $0xb8;
	[tilespmem:$0x10100] =	vst v63  }
0x7f: {  	s11 =	simm.s32 $0x1900  }
0x80: {  	[hbm4b:s8+s2] =	stream.indirect_vreg.scatter [tilespmem:s11], [sflag:$0x1], $0x80, v4, vm0, $0xb8;
	[tilespmem:$0x10100] =	vst v63  }
0x81: {  	s12 =	simm.s32 $0x2100  }
0x82: {  	[hbm4b:s3+s2] =	stream.indirect_vreg.scatter [tilespmem:s12], [sflag:$0x1], $0x80, v3, vm0, $0xb8;
	[tilespmem:$0x10100] =	vst v63  }
0x83: {  	s15 =	simm.s32 $0x2900  }
0x84: {  	[hbm4b:s6+s2] =	stream.indirect_vreg.scatter [tilespmem:s15], [sflag:$0x1], $0x80, v3, vm0, $0xb8;
	[tilespmem:$0x10100] =	vst v63  }
0x85: {  	s0 =	simm.s32 $0x3100  }
0x86: {  	[hbm4b:s7+s2] =	stream.indirect_vreg.scatter [tilespmem:s0], [sflag:$0x1], $0x80, v3, vm0, $0xb8;
	[tilespmem:$0x10100] =	vst v63  }
0x87: {  	s17 =	simm.s32 $0x3900  }
0x88: {  	[hbm4b:s8+s2] =	stream.indirect_vreg.scatter [tilespmem:s17], [sflag:$0x1], $0x80, v3, vm0, $0xb8;
	[tilespmem:$0x10100] =	vst v63  }
0x89: {  	v3 =	vld [tilespmem:$0x90];
	_ =	sdelay $0x4  }
0x8a: {  	v53 =	vshll.u32 v3, $0x3  }
0x8b: {  	v3 =	vand.u32 $0x7, v3;
	v4 =	vand.u32 $0xFFFFFFC0, v53  }
0x8c: {  	v3 =	vor.u32 v3, v4  }
0x8d: {  	v4 =	vperm.xlane v3, v0;
	_ =	sdelay $0x1  }
0x8e: {  	v4 =	vadd.s32 v1, v4;
	_ =	sdelay $0x3  }
0x8f: {  	s29 =	simm.s32 $0x4100  }
0x90: {  	[hbm4b:s3+s2] =	stream.indirect_vreg.scatter [tilespmem:s29], [sflag:$0x1], $0x80, v4, vm0, $0xb8;
	[tilespmem:$0x10100] =	vst v63  }
0x91: {  	s30 =	simm.s32 $0x4900;
	v3 =	vperm.xlane v3, v2  }
0x92: {  	[hbm4b:s6+s2] =	stream.indirect_vreg.scatter [tilespmem:s30], [sflag:$0x1], $0x80, v4, vm0, $0xb8;
	[tilespmem:$0x10100] =	vst v63  }
0x93: {  	s31 =	simm.s32 $0x5100;
	v3 =	vadd.s32 v1, v3  }
0x94: {  	[hbm4b:s7+s2] =	stream.indirect_vreg.scatter [tilespmem:s31], [sflag:$0x1], $0x80, v4, vm0, $0xb8;
	[tilespmem:$0x10100] =	vst v63  }
0x95: {  	s18 =	simm.s32 $0x5900  }
0x96: {  	[hbm4b:s8+s2] =	stream.indirect_vreg.scatter [tilespmem:s18], [sflag:$0x1], $0x80, v4, vm0, $0xb8;
	[tilespmem:$0x10100] =	vst v63  }
0x97: {  	s17 =	simm.s32 $0x6100  }
0x98: {  	[hbm4b:s3+s2] =	stream.indirect_vreg.scatter [tilespmem:s17], [sflag:$0x1], $0x80, v3, vm0, $0xb8;
	[tilespmem:$0x10100] =	vst v63  }
0x99: {  	s18 =	simm.s32 $0x6900  }
0x9a: {  	[hbm4b:s6+s2] =	stream.indirect_vreg.scatter [tilespmem:s18], [sflag:$0x1], $0x80, v3, vm0, $0xb8;
	[tilespmem:$0x10100] =	vst v63  }
0x9b: {  	s4 =	simm.s32 $0x7100  }
0x9c: {  	[hbm4b:s7+s2] =	stream.indirect_vreg.scatter [tilespmem:s4], [sflag:$0x1], $0x80, v3, vm0, $0xb8;
	[tilespmem:$0x10100] =	vst v63  }
0x9d: {  	s13 =	simm.s32 $0x7900  }
0x9e: {  	[hbm4b:s8+s2] =	stream.indirect_vreg.scatter [tilespmem:s13], [sflag:$0x1], $0x80, v3, vm0, $0xb8;
	[tilespmem:$0x10100] =	vst v63  }
0x9f: {  	v3 =	vld [tilespmem:$0xA0];
	_ =	sdelay $0x4  }
0xa0: {  	v54 =	vshll.u32 v3, $0x3  }
0xa1: {  	v3 =	vand.u32 $0x7, v3;
	v4 =	vand.u32 $0xFFFFFFC0, v54  }
0xa2: {  	v3 =	vor.u32 v3, v4  }
0xa3: {  	v4 =	vperm.xlane v3, v0;
	_ =	sdelay $0x1  }
0xa4: {  	v4 =	vadd.s32 v1, v4;
	_ =	sdelay $0x3  }
0xa5: {  	s14 =	simm.s32 $0x8100  }
0xa6: {  	[hbm4b:s3+s2] =	stream.indirect_vreg.scatter [tilespmem:s14], [sflag:$0x1], $0x80, v4, vm0, $0xb8;
	[tilespmem:$0x10100] =	vst v63  }
0xa7: {  	s25 =	simm.s32 $0x8900;
	v3 =	vperm.xlane v3, v2  }
0xa8: {  	[hbm4b:s6+s2] =	stream.indirect_vreg.scatter [tilespmem:s25], [sflag:$0x1], $0x80, v4, vm0, $0xb8;
	[tilespmem:$0x10100] =	vst v63  }
0xa9: {  	s31 =	simm.s32 $0x9100;
	v3 =	vadd.s32 v1, v3  }
0xaa: {  	[hbm4b:s7+s2] =	stream.indirect_vreg.scatter [tilespmem:s31], [sflag:$0x1], $0x80, v4, vm0, $0xb8;
	[tilespmem:$0x10100] =	vst v63  }
0xab: {  	s21 =	simm.s32 $0x9900  }
0xac: {  	[hbm4b:s8+s2] =	stream.indirect_vreg.scatter [tilespmem:s21], [sflag:$0x1], $0x80, v4, vm0, $0xb8;
	[tilespmem:$0x10100] =	vst v63  }
0xad: {  	s22 =	simm.s32 $0xA100  }
0xae: {  	[hbm4b:s3+s2] =	stream.indirect_vreg.scatter [tilespmem:s22], [sflag:$0x1], $0x80, v3, vm0, $0xb8;
	[tilespmem:$0x10100] =	vst v63  }
0xaf: {  	s23 =	simm.s32 $0xA900  }
0xb0: {  	[hbm4b:s6+s2] =	stream.indirect_vreg.scatter [tilespmem:s23], [sflag:$0x1], $0x80, v3, vm0, $0xb8;
	[tilespmem:$0x10100] =	vst v63  }
0xb1: {  	s24 =	simm.s32 $0xB100  }
0xb2: {  	[hbm4b:s7+s2] =	stream.indirect_vreg.scatter [tilespmem:s24], [sflag:$0x1], $0x80, v3, vm0, $0xb8;
	[tilespmem:$0x10100] =	vst v63  }
0xb3: {  	s5 =	simm.s32 $0xB900  }
0xb4: {  	[hbm4b:s8+s2] =	stream.indirect_vreg.scatter [tilespmem:s5], [sflag:$0x1], $0x80, v3, vm0, $0xb8;
	[tilespmem:$0x10100] =	vst v63  }
0xb5: {  	v3 =	vld [tilespmem:$0xB0];
	_ =	sdelay $0x4  }
0xb6: {  	v55 =	vshll.u32 v3, $0x3  }
0xb7: {  	v3 =	vand.u32 $0x7, v3;
	v4 =	vand.u32 $0xFFFFFFC0, v55  }
0xb8: {  	v3 =	vor.u32 v3, v4  }
0xb9: {  	v4 =	vperm.xlane v3, v0;
	_ =	sdelay $0x1  }
0xba: {  	v4 =	vadd.s32 v1, v4;
	_ =	sdelay $0x3  }
0xbb: {  	s19 =	simm.s32 $0xC100  }
0xbc: {  	[hbm4b:s3+s2] =	stream.indirect_vreg.scatter [tilespmem:s19], [sflag:$0x1], $0x80, v4, vm0, $0xb8;
	[tilespmem:$0x10100] =	vst v63  }
0xbd: {  	s1 =	simm.s32 $0xC900;
	v3 =	vperm.xlane v3, v2  }
0xbe: {  	[hbm4b:s6+s2] =	stream.indirect_vreg.scatter [tilespmem:s1], [sflag:$0x1], $0x80, v4, vm0, $0xb8;
	[tilespmem:$0x10100] =	vst v63  }
0xbf: {  	s11 =	simm.s32 $0xD100;
	v3 =	vadd.s32 v1, v3  }
0xc0: {  	[hbm4b:s7+s2] =	stream.indirect_vreg.scatter [tilespmem:s11], [sflag:$0x1], $0x80, v4, vm0, $0xb8;
	[tilespmem:$0x10100] =	vst v63  }
0xc1: {  	s13 =	simm.s32 $0xD900  }
0xc2: {  	[hbm4b:s8+s2] =	stream.indirect_vreg.scatter [tilespmem:s13], [sflag:$0x1], $0x80, v4, vm0, $0xb8;
	[tilespmem:$0x10100] =	vst v63  }
0xc3: {  	s28 =	simm.s32 $0xE100  }
0xc4: {  	[hbm4b:s3+s2] =	stream.indirect_vreg.scatter [tilespmem:s28], [sflag:$0x1], $0x80, v3, vm0, $0xb8;
	[tilespmem:$0x10100] =	vst v63  }
0xc5: {  	s14 =	simm.s32 $0xE900  }
0xc6: {  	[hbm4b:s6+s2] =	stream.indirect_vreg.scatter [tilespmem:s14], [sflag:$0x1], $0x80, v3, vm0, $0xb8;
	[tilespmem:$0x10100] =	vst v63  }
0xc7: {  	s15 =	simm.s32 $0xF100  }
0xc8: {  	[hbm4b:s7+s2] =	stream.indirect_vreg.scatter [tilespmem:s15], [sflag:$0x1], $0x80, v3, vm0, $0xb8;
	[tilespmem:$0x10100] =	vst v63  }
0xc9: {  	s20 =	simm.s32 $0xF900  }
0xca: {  	[hbm4b:s8+s2] =	stream.indirect_vreg.scatter [tilespmem:s20], [sflag:$0x1], $0x80, v3, vm0, $0xb8;
	[tilespmem:$0x10100] =	vst v63  }
0xcb: {  	_ =	swait.ge [sflag:s10], $0x10000  }
0xcc: {  	[sflag:s10] =	ssyncset.done $0x0  }
0xcd: {  	s19 =	rddreg [dreg:$0x4];
	[sflag:s10] =	ssyncadd.s32 $0xFFFF0000  }
0xce: {  	[tilespmem:s26], [sflag:$0x1] =	stream.linear.gather [hbm4b:s19+s2], $0x10000, $0x38;
	[tilespmem:$0x10100] =	vst v63  }
0xcf: {  	_ =	swait.ge [sflag:s10], $0x10000  }
0xd0: {  	[sflag:s10] =	ssyncset.done $0x0  }
0xd1: {  	[sflag:s10] =	ssyncadd.s32 $0xFFFF0000  }
0xd2: {  	v3 =	vld [tilespmem:$0x40];
	_ =	sdelay $0x4  }
0xd3: {  	v56 =	vshll.u32 v3, $0x3  }
0xd4: {  	v3 =	vand.u32 $0x7, v3;
	v4 =	vand.u32 $0xFFFFFFC0, v56  }
0xd5: {  	v3 =	vor.u32 v3, v4  }
0xd6: {  	v4 =	vperm.xlane v3, v0;
	_ =	sdelay $0x1  }
0xd7: {  	v4 =	vadd.s32 v1, v4;
	_ =	sdelay $0x4  }
0xd8: {  	[hbm4b:s3+s2] =	stream.indirect_vreg.scatter [tilespmem:s26], [sflag:$0x1], $0x80, v4, vm0, $0xb8;
	[tilespmem:$0x10100] =	vst v63  }
0xd9: {  	v3 =	vperm.xlane v3, v2  }
0xda: {  	[hbm4b:s6+s2] =	stream.indirect_vreg.scatter [tilespmem:s16], [sflag:$0x1], $0x80, v4, vm0, $0xb8;
	[tilespmem:$0x10100] =	vst v63  }
0xdb: {  	s20 =	simm.s32 $0x1100;
	v3 =	vadd.s32 v1, v3  }
0xdc: {  	[hbm4b:s7+s2] =	stream.indirect_vreg.scatter [tilespmem:s20], [sflag:$0x1], $0x80, v4, vm0, $0xb8;
	[tilespmem:$0x10100] =	vst v63  }
0xdd: {  	s1 =	simm.s32 $0x1900  }
0xde: {  	[hbm4b:s8+s2] =	stream.indirect_vreg.scatter [tilespmem:s1], [sflag:$0x1], $0x80, v4, vm0, $0xb8;
	[tilespmem:$0x10100] =	vst v63  }
0xdf: {  	s13 =	simm.s32 $0x2100  }
0xe0: {  	[hbm4b:s3+s2] =	stream.indirect_vreg.scatter [tilespmem:s13], [sflag:$0x1], $0x80, v3, vm0, $0xb8;
	[tilespmem:$0x10100] =	vst v63  }
0xe1: {  	s12 =	simm.s32 $0x2900  }
0xe2: {  	[hbm4b:s6+s2] =	stream.indirect_vreg.scatter [tilespmem:s12], [sflag:$0x1], $0x80, v3, vm0, $0xb8;
	[tilespmem:$0x10100] =	vst v63  }
0xe3: {  	_ = 	snop  }
0xe4: {  	[hbm4b:s7+s2] =	stream.indirect_vreg.scatter [tilespmem:s0], [sflag:$0x1], $0x80, v3, vm0, $0xb8;
	[tilespmem:$0x10100] =	vst v63  }
0xe5: {  	s11 =	simm.s32 $0x3900  }
0xe6: {  	[hbm4b:s8+s2] =	stream.indirect_vreg.scatter [tilespmem:s11], [sflag:$0x1], $0x80, v3, vm0, $0xb8;
	[tilespmem:$0x10100] =	vst v63  }
0xe7: {  	v3 =	vld [tilespmem:$0x50];
	_ =	sdelay $0x4  }
0xe8: {  	v57 =	vshll.u32 v3, $0x3  }
0xe9: {  	v3 =	vand.u32 $0x7, v3;
	v4 =	vand.u32 $0xFFFFFFC0, v57  }
0xea: {  	v3 =	vor.u32 v3, v4  }
0xeb: {  	v4 =	vperm.xlane v3, v0;
	_ =	sdelay $0x1  }
0xec: {  	v4 =	vadd.s32 v1, v4;
	_ =	sdelay $0x3  }
0xed: {  	s14 =	simm.s32 $0x4100  }
0xee: {  	[hbm4b:s3+s2] =	stream.indirect_vreg.scatter [tilespmem:s14], [sflag:$0x1], $0x80, v4, vm0, $0xb8;
	[tilespmem:$0x10100] =	vst v63  }
0xef: {  	s30 =	simm.s32 $0x4900;
	v3 =	vperm.xlane v3, v2  }
0xf0: {  	[hbm4b:s6+s2] =	stream.indirect_vreg.scatter [tilespmem:s30], [sflag:$0x1], $0x80, v4, vm0, $0xb8;
	[tilespmem:$0x10100] =	vst v63  }
0xf1: {  	s15 =	simm.s32 $0x5100;
	v3 =	vadd.s32 v1, v3  }
0xf2: {  	[hbm4b:s7+s2] =	stream.indirect_vreg.scatter [tilespmem:s15], [sflag:$0x1], $0x80, v4, vm0, $0xb8;
	[tilespmem:$0x10100] =	vst v63  }
0xf3: {  	s20 =	simm.s32 $0x5900  }
0xf4: {  	[hbm4b:s8+s2] =	stream.indirect_vreg.scatter [tilespmem:s20], [sflag:$0x1], $0x80, v4, vm0, $0xb8;
	[tilespmem:$0x10100] =	vst v63  }
0xf5: {  	_ = 	snop  }
0xf6: {  	[hbm4b:s3+s2] =	stream.indirect_vreg.scatter [tilespmem:s17], [sflag:$0x1], $0x80, v3, vm0, $0xb8;
	[tilespmem:$0x10100] =	vst v63  }
0xf7: {  	_ = 	snop  }
0xf8: {  	[hbm4b:s6+s2] =	stream.indirect_vreg.scatter [tilespmem:s18], [sflag:$0x1], $0x80, v3, vm0, $0xb8;
	[tilespmem:$0x10100] =	vst v63  }
0xf9: {  	_ = 	snop  }
0xfa: {  	[hbm4b:s7+s2] =	stream.indirect_vreg.scatter [tilespmem:s4], [sflag:$0x1], $0x80, v3, vm0, $0xb8;
	[tilespmem:$0x10100] =	vst v63  }
0xfb: {  	s5 =	simm.s32 $0x7900  }
0xfc: {  	[hbm4b:s8+s2] =	stream.indirect_vreg.scatter [tilespmem:s5], [sflag:$0x1], $0x80, v3, vm0, $0xb8;
	[tilespmem:$0x10100] =	vst v63  }
0xfd: {  	v3 =	vld [tilespmem:$0x60];
	_ =	sdelay $0x4  }
0xfe: {  	v58 =	vshll.u32 v3, $0x3  }
0xff: {  	v3 =	vand.u32 $0x7, v3;
	v4 =	vand.u32 $0xFFFFFFC0, v58  }
0x100: {  	v3 =	vor.u32 v3, v4  }
0x101: {  	v4 =	vperm.xlane v3, v0;
	_ =	sdelay $0x1  }
0x102: {  	v4 =	vadd.s32 v1, v4;
	_ =	sdelay $0x3  }
0x103: {  	s12 =	simm.s32 $0x8100  }
0x104: {  	[hbm4b:s3+s2] =	stream.indirect_vreg.scatter [tilespmem:s12], [sflag:$0x1], $0x80, v4, vm0, $0xb8;
	[tilespmem:$0x10100] =	vst v63  }
0x105: {  	v3 =	vperm.xlane v3, v2  }
0x106: {  	[hbm4b:s6+s2] =	stream.indirect_vreg.scatter [tilespmem:s25], [sflag:$0x1], $0x80, v4, vm0, $0xb8;
	[tilespmem:$0x10100] =	vst v63  }
0x107: {  	v3 =	vadd.s32 v1, v3  }
0x108: {  	[hbm4b:s7+s2] =	stream.indirect_vreg.scatter [tilespmem:s31], [sflag:$0x1], $0x80, v4, vm0, $0xb8;
	[tilespmem:$0x10100] =	vst v63  }
0x109: {  	_ = 	snop  }
0x10a: {  	[hbm4b:s8+s2] =	stream.indirect_vreg.scatter [tilespmem:s21], [sflag:$0x1], $0x80, v4, vm0, $0xb8;
	[tilespmem:$0x10100] =	vst v63  }
0x10b: {  	_ = 	snop  }
0x10c: {  	[hbm4b:s3+s2] =	stream.indirect_vreg.scatter [tilespmem:s22], [sflag:$0x1], $0x80, v3, vm0, $0xb8;
	[tilespmem:$0x10100] =	vst v63  }
0x10d: {  	_ = 	snop  }
0x10e: {  	[hbm4b:s6+s2] =	stream.indirect_vreg.scatter [tilespmem:s23], [sflag:$0x1], $0x80, v3, vm0, $0xb8;
	[tilespmem:$0x10100] =	vst v63  }
0x10f: {  	_ = 	snop  }
0x110: {  	[hbm4b:s7+s2] =	stream.indirect_vreg.scatter [tilespmem:s24], [sflag:$0x1], $0x80, v3, vm0, $0xb8;
	[tilespmem:$0x10100] =	vst v63  }
0x111: {  	s29 =	simm.s32 $0xB900  }
0x112: {  	[hbm4b:s8+s2] =	stream.indirect_vreg.scatter [tilespmem:s29], [sflag:$0x1], $0x80, v3, vm0, $0xb8;
	[tilespmem:$0x10100] =	vst v63  }
0x113: {  	v3 =	vld [tilespmem:$0x70];
	_ =	sdelay $0x4  }
0x114: {  	v59 =	vshll.u32 v3, $0x3  }
0x115: {  	v3 =	vand.u32 $0x7, v3;
	v4 =	vand.u32 $0xFFFFFFC0, v59  }
0x116: {  	v3 =	vor.u32 v3, v4  }
0x117: {  	v4 =	vperm.xlane v3, v0;
	_ =	sdelay $0x1  }
0x118: {  	v4 =	vadd.s32 v1, v4;
	_ =	sdelay $0x3  }
0x119: {  	s25 =	simm.s32 $0xC100  }
0x11a: {  	[hbm4b:s3+s2] =	stream.indirect_vreg.scatter [tilespmem:s25], [sflag:$0x1], $0x80, v4, vm0, $0xb8;
	[tilespmem:$0x10100] =	vst v63  }
0x11b: {  	s29 =	simm.s32 $0xC900;
	v3 =	vperm.xlane v3, v2  }
0x11c: {  	[hbm4b:s6+s2] =	stream.indirect_vreg.scatter [tilespmem:s29], [sflag:$0x1], $0x80, v4, vm0, $0xb8;
	[tilespmem:$0x10100] =	vst v63  }
0x11d: {  	s18 =	simm.s32 $0xD100;
	v3 =	vadd.s32 v1, v3  }
0x11e: {  	[hbm4b:s7+s2] =	stream.indirect_vreg.scatter [tilespmem:s18], [sflag:$0x1], $0x80, v4, vm0, $0xb8;
	[tilespmem:$0x10100] =	vst v63  }
0x11f: {  	s4 =	simm.s32 $0xD900  }
0x120: {  	[hbm4b:s8+s2] =	stream.indirect_vreg.scatter [tilespmem:s4], [sflag:$0x1], $0x80, v4, vm0, $0xb8;
	[tilespmem:$0x10100] =	vst v63  }
0x121: {  	s0 =	simm.s32 $0xE100  }
0x122: {  	[hbm4b:s3+s2] =	stream.indirect_vreg.scatter [tilespmem:s0], [sflag:$0x1], $0x80, v3, vm0, $0xb8;
	[tilespmem:$0x10100] =	vst v63  }
0x123: {  	s25 =	simm.s32 $0xE900  }
0x124: {  	[hbm4b:s6+s2] =	stream.indirect_vreg.scatter [tilespmem:s25], [sflag:$0x1], $0x80, v3, vm0, $0xb8;
	[tilespmem:$0x10100] =	vst v63  }
0x125: {  	s4 =	simm.s32 $0xF100  }
0x126: {  	[hbm4b:s7+s2] =	stream.indirect_vreg.scatter [tilespmem:s4], [sflag:$0x1], $0x80, v3, vm0, $0xb8;
	[tilespmem:$0x10100] =	vst v63  }
0x127: {  	s4 =	simm.s32 $0xF900  }
0x128: {  	[hbm4b:s8+s2] =	stream.indirect_vreg.scatter [tilespmem:s4], [sflag:$0x1], $0x80, v3, vm0, $0xb8;
	[tilespmem:$0x10100] =	vst v63  }
0x129: {  	_ =	swait.ge [sflag:s10], $0x10000  }
0x12a: {  	[sflag:s10] =	ssyncset.done $0x0  }
0x12b: {  	[sflag:s10] =	ssyncadd.s32 $0xFFFF0000  }
0x12c: {  	v3 =	vld [tilespmem:$0xC0];
	_ =	sdelay $0x4  }
0x12d: {  	v60 =	vshll.u32 v3, $0x3  }
0x12e: {  	v3 =	vand.u32 $0x7, v3;
	v4 =	vand.u32 $0xFFFFFFC0, v60  }
0x12f: {  	v3 =	vor.u32 v3, v4  }
0x130: {  	v4 =	vperm.xlane v3, v0;
	_ =	sdelay $0x1  }
0x131: {  	v4 =	vadd.s32 v1, v4;
	_ =	sdelay $0x4  }
0x132: {  	[hbm4b:s3+s2] =	stream.indirect_vreg.scatter [tilespmem:s26], [sflag:$0x1], $0x80, v4, vm0, $0xb8;
	[tilespmem:$0x10100] =	vst v63  }
0x133: {  	s16 =	simm.s32 $0x900;
	v3 =	vperm.xlane v3, v2  }
0x134: {  	[hbm4b:s6+s2] =	stream.indirect_vreg.scatter [tilespmem:s16], [sflag:$0x1], $0x80, v4, vm0, $0xb8;
	[tilespmem:$0x10100] =	vst v63  }
0x135: {  	s19 =	simm.s32 $0x1100;
	v3 =	vadd.s32 v1, v3  }
0x136: {  	[hbm4b:s7+s2] =	stream.indirect_vreg.scatter [tilespmem:s19], [sflag:$0x1], $0x80, v4, vm0, $0xb8;
	[tilespmem:$0x10100] =	vst v63  }
0x137: {  	_ = 	snop  }
0x138: {  	[hbm4b:s8+s2] =	stream.indirect_vreg.scatter [tilespmem:s1], [sflag:$0x1], $0x80, v4, vm0, $0xb8;
	[tilespmem:$0x10100] =	vst v63  }
0x139: {  	_ = 	snop  }
0x13a: {  	[hbm4b:s3+s2] =	stream.indirect_vreg.scatter [tilespmem:s13], [sflag:$0x1], $0x80, v3, vm0, $0xb8;
	[tilespmem:$0x10100] =	vst v63  }
0x13b: {  	s19 =	simm.s32 $0x2900  }
0x13c: {  	[hbm4b:s6+s2] =	stream.indirect_vreg.scatter [tilespmem:s19], [sflag:$0x1], $0x80, v3, vm0, $0xb8;
	[tilespmem:$0x10100] =	vst v63  }
0x13d: {  	s13 =	simm.s32 $0x3100  }
0x13e: {  	[hbm4b:s7+s2] =	stream.indirect_vreg.scatter [tilespmem:s13], [sflag:$0x1], $0x80, v3, vm0, $0xb8;
	[tilespmem:$0x10100] =	vst v63  }
0x13f: {  	_ = 	snop  }
0x140: {  	[hbm4b:s8+s2] =	stream.indirect_vreg.scatter [tilespmem:s11], [sflag:$0x1], $0x80, v3, vm0, $0xb8;
	[tilespmem:$0x10100] =	vst v63  }
0x141: {  	v3 =	vld [tilespmem:$0xD0];
	_ =	sdelay $0x4  }
0x142: {  	v61 =	vshll.u32 v3, $0x3  }
0x143: {  	v3 =	vand.u32 $0x7, v3;
	v4 =	vand.u32 $0xFFFFFFC0, v61  }
0x144: {  	v3 =	vor.u32 v3, v4  }
0x145: {  	v4 =	vperm.xlane v3, v0;
	_ =	sdelay $0x1  }
0x146: {  	v4 =	vadd.s32 v1, v4;
	_ =	sdelay $0x4  }
0x147: {  	[hbm4b:s3+s2] =	stream.indirect_vreg.scatter [tilespmem:s14], [sflag:$0x1], $0x80, v4, vm0, $0xb8;
	[tilespmem:$0x10100] =	vst v63  }
0x148: {  	s16 =	simm.s32 $0x4900;
	v3 =	vperm.xlane v3, v2  }
0x149: {  	[hbm4b:s6+s2] =	stream.indirect_vreg.scatter [tilespmem:s16], [sflag:$0x1], $0x80, v4, vm0, $0xb8;
	[tilespmem:$0x10100] =	vst v63  }
0x14a: {  	v3 =	vadd.s32 v1, v3  }
0x14b: {  	[hbm4b:s7+s2] =	stream.indirect_vreg.scatter [tilespmem:s15], [sflag:$0x1], $0x80, v4, vm0, $0xb8;
	[tilespmem:$0x10100] =	vst v63  }
0x14c: {  	_ = 	snop  }
0x14d: {  	[hbm4b:s8+s2] =	stream.indirect_vreg.scatter [tilespmem:s20], [sflag:$0x1], $0x80, v4, vm0, $0xb8;
	[tilespmem:$0x10100] =	vst v63  }
0x14e: {  	s19 =	simm.s32 $0x6100  }
0x14f: {  	[hbm4b:s3+s2] =	stream.indirect_vreg.scatter [tilespmem:s19], [sflag:$0x1], $0x80, v3, vm0, $0xb8;
	[tilespmem:$0x10100] =	vst v63  }
0x150: {  	s28 =	simm.s32 $0x6900  }
0x151: {  	[hbm4b:s6+s2] =	stream.indirect_vreg.scatter [tilespmem:s28], [sflag:$0x1], $0x80, v3, vm0, $0xb8;
	[tilespmem:$0x10100] =	vst v63  }
0x152: {  	s30 =	simm.s32 $0x7100  }
0x153: {  	[hbm4b:s7+s2] =	stream.indirect_vreg.scatter [tilespmem:s30], [sflag:$0x1], $0x80, v3, vm0, $0xb8;
	[tilespmem:$0x10100] =	vst v63  }
0x154: {  	_ = 	snop  }
0x155: {  	[hbm4b:s8+s2] =	stream.indirect_vreg.scatter [tilespmem:s5], [sflag:$0x1], $0x80, v3, vm0, $0xb8;
	[tilespmem:$0x10100] =	vst v63  }
0x156: {  	v3 =	vld [tilespmem:$0xE0];
	_ =	sdelay $0x4  }
0x157: {  	v62 =	vshll.u32 v3, $0x3  }
0x158: {  	v3 =	vand.u32 $0x7, v3;
	v4 =	vand.u32 $0xFFFFFFC0, v62  }
0x159: {  	v3 =	vor.u32 v3, v4  }
0x15a: {  	v4 =	vperm.xlane v3, v0;
	_ =	sdelay $0x1  }
0x15b: {  	v4 =	vadd.s32 v1, v4;
	_ =	sdelay $0x4  }
0x15c: {  	[hbm4b:s3+s2] =	stream.indirect_vreg.scatter [tilespmem:s12], [sflag:$0x1], $0x80, v4, vm0, $0xb8;
	[tilespmem:$0x10100] =	vst v63  }
0x15d: {  	s20 =	simm.s32 $0x8900;
	v3 =	vperm.xlane v3, v2  }
0x15e: {  	[hbm4b:s6+s2] =	stream.indirect_vreg.scatter [tilespmem:s20], [sflag:$0x1], $0x80, v4, vm0, $0xb8;
	[tilespmem:$0x10100] =	vst v63  }
0x15f: {  	s28 =	simm.s32 $0x9100;
	v3 =	vadd.s32 v1, v3  }
0x160: {  	[hbm4b:s7+s2] =	stream.indirect_vreg.scatter [tilespmem:s28], [sflag:$0x1], $0x80, v4, vm0, $0xb8;
	[tilespmem:$0x10100] =	vst v63  }
0x161: {  	s21 =	simm.s32 $0x9900  }
0x162: {  	[hbm4b:s8+s2] =	stream.indirect_vreg.scatter [tilespmem:s21], [sflag:$0x1], $0x80, v4, vm0, $0xb8;
	[tilespmem:$0x10100] =	vst v63  }
0x163: {  	s22 =	simm.s32 $0xA100  }
0x164: {  	[hbm4b:s3+s2] =	stream.indirect_vreg.scatter [tilespmem:s22], [sflag:$0x1], $0x80, v3, vm0, $0xb8;
	[tilespmem:$0x10100] =	vst v63  }
0x165: {  	s23 =	simm.s32 $0xA900  }
0x166: {  	[hbm4b:s6+s2] =	stream.indirect_vreg.scatter [tilespmem:s23], [sflag:$0x1], $0x80, v3, vm0, $0xb8;
	[tilespmem:$0x10100] =	vst v63  }
0x167: {  	s24 =	simm.s32 $0xB100  }
0x168: {  	[hbm4b:s7+s2] =	stream.indirect_vreg.scatter [tilespmem:s24], [sflag:$0x1], $0x80, v3, vm0, $0xb8;
	[tilespmem:$0x10100] =	vst v63  }
0x169: {  	s31 =	simm.s32 $0xB900  }
0x16a: {  	[hbm4b:s8+s2] =	stream.indirect_vreg.scatter [tilespmem:s31], [sflag:$0x1], $0x80, v3, vm0, $0xb8;
	[tilespmem:$0x10100] =	vst v63  }
0x16b: {  	v3 =	vld [tilespmem:$0xF0];
	_ =	sdelay $0x4  }
0x16c: {  	v63 =	vshll.u32 v3, $0x3  }
0x16d: {  	v3 =	vand.u32 $0x7, v3;
	v4 =	vand.u32 $0xFFFFFFC0, v63  }
0x16e: {  	v3 =	vor.u32 v3, v4  }
0x16f: {  	v4 =	vperm.xlane v3, v0;
	_ =	sdelay $0x1  }
0x170: {  	v4 =	vadd.s32 v1, v4;
	_ =	sdelay $0x3  }
0x171: {  	s17 =	simm.s32 $0xC100  }
0x172: {  	[hbm4b:s3+s2] =	stream.indirect_vreg.scatter [tilespmem:s17], [sflag:$0x1], $0x80, v4, vm0, $0xb8;
	[tilespmem:$0x10100] =	vst v63  }
0x173: {  	s29 =	simm.s32 $0xC900;
	v3 =	vperm.xlane v3, v2  }
0x174: {  	[hbm4b:s6+s2] =	stream.indirect_vreg.scatter [tilespmem:s29], [sflag:$0x1], $0x80, v4, vm0, $0xb8;
	[tilespmem:$0x10100] =	vst v63  }
0x175: {  	v3 =	vadd.s32 v1, v3  }
0x176: {  	[hbm4b:s7+s2] =	stream.indirect_vreg.scatter [tilespmem:s18], [sflag:$0x1], $0x80, v4, vm0, $0xb8;
	[tilespmem:$0x10100] =	vst v63  }
0x177: {  	s30 =	simm.s32 $0xD900  }
0x178: {  	[hbm4b:s8+s2] =	stream.indirect_vreg.scatter [tilespmem:s30], [sflag:$0x1], $0x80, v4, vm0, $0xb8;
	[tilespmem:$0x10100] =	vst v63  }
0x179: {  	_ = 	snop  }
0x17a: {  	[hbm4b:s3+s2] =	stream.indirect_vreg.scatter [tilespmem:s0], [sflag:$0x1], $0x80, v3, vm0, $0xb8;
	[tilespmem:$0x10100] =	vst v63  }
0x17b: {  	s31 =	simm.s32 $0xE900  }
0x17c: {  	[hbm4b:s6+s2] =	stream.indirect_vreg.scatter [tilespmem:s31], [sflag:$0x1], $0x80, v3, vm0, $0xb8;
	[tilespmem:$0x10100] =	vst v63  }
0x17d: {  	p0 =	sne.s32 s9, $0x1;
	s25 =	simm.s32 $0xF100  }
0x17e: {  	[hbm4b:s7+s2] =	stream.indirect_vreg.scatter [tilespmem:s25], [sflag:$0x1], $0x80, v3, vm0, $0xb8;
	[tilespmem:$0x10100] =	vst v63  }
.Ltmp0:
0x17f: {  	_ = 	snop;
	(pc) =	sbr.rel @p0 .LBB2_1-.Ltmp0, $4  }
0x180: {  	[hbm4b:s8+s2] =	stream.indirect_vreg.scatter [tilespmem:s4], [sflag:$0x1], $0x80, v3, vm0, $0xb8;
	[tilespmem:$0x10100] =	vst v63  }
0x181: {  	_ =	swait.ge [sflag:s10], $0x10000  }
0x182: {  	[sflag:s10] =	ssyncset.done $0x0  }
0x183: {  	s9 =	sadd.s32 $0xFFFFFFFF, s9;
	[sflag:s10] =	ssyncadd.s32 $0xFFFF0000  }
0x184: {  	_ =	sfence.sel $0x180000  }
0x185: {  	[bflag:$0x0] =	sbarrier.arrive $0xFFFF  }
0x186: {  	_ =	strace $0x90000047  }
0x187: {  	s0 =	stileid.u32;
	[bflag:$0x2] =	sbarrier.arrive $0xFFFF  }
0x188: {  	p0 =	sne.s32 s0, $0x0;
	s0 =	rddreg [dreg:$0x2]  }
0x189: {  	s0 =	sadd.s32 @!p0 $0x100000, s0  }
0x18a: {  	[sflag:s0] =	ssyncadd.tile.s32 @!p0 $0x1;
	_ =	shalt  }
.Lfunc_end2:
_tile_overlayer_lowered:
.L_overlay_start_2:
0x18b: {  	(tag) =	ssettag $0x2  }
0x18c: {  	s0 =	rddreg [dreg:$0x0];
	s2 =	stileid.u32  }
0x18d: {  	s1 =	rddreg [dreg:$0x1];
	p0 =	sne.s32 s2, $0x0  }
0x18e: {  	s3 =	rddreg [dreg:$0x2];
	[bflag:$0x3] =	sbarrier.arrive $0xFFFF;
	s2 =	simm.s32 @!p0 $0x1C01  }
0x18f: {  	[timem:s3], [sflag:s2] =	dma.local @!p0 [hbm:s0], s1  }
0x190: {  	s0 =	simm.s32 @!p0 $0x1  }
0x191: {  	_ =	swait.ge @!p0 [sflag:s0], s1  }
0x192: {  	s1 =	ssub.s32 @!p0 $0x0, s1;
	[sflag:s0] =	ssyncset.done @!p0 $0x0  }
0x193: {  	[sflag:s0] =	ssyncadd.s32 @!p0 s1  }
0x194: {  	[bflag:$0x3] =	sbarrier.arrive $0xFFFF  }
0x195: {  	_ =	shalt  }

</sc_bundles>
